<compile_context>
chip_gen: v7x
topology: tpu7x:2x2x1
jax: 0.10.2.dev20260603
libtpu: 0.0.44.dev20260713+nightly
codegen_flags: <defaults>
</compile_context>

<pallas_src>
import functools

import jax
import jax.numpy as jnp
from jax import lax
from jax.experimental import pallas as pl
from jax.experimental.pallas import tpu as pltpu
from jax.experimental.pallas import tpu_sc as plsc

B, S, D, C = 4, 8192, 128, 8
NCOL = D * C
LANES = 16
KTOP = 8
CHUNK = 256
NCHUNK = S // CHUNK
STRIPE = 128
GSTRIPE = STRIPE // LANES

_SORT8 = [(0, 1), (2, 3), (4, 5), (6, 7), (0, 2), (1, 3), (4, 6), (5, 7),
          (1, 2), (5, 6), (0, 4), (1, 5), (2, 6), (3, 7), (2, 4), (3, 5),
          (1, 2), (3, 4), (5, 6)]
_BITONIC8 = [(0, 4), (1, 5), (2, 6), (3, 7), (0, 2), (1, 3), (4, 6), (5, 7),
             (0, 1), (2, 3), (4, 5), (6, 7)]


def _merge_batch(R, N):
    N = list(N)
    for i, j in _SORT8:
        hi = jnp.maximum(N[i], N[j])
        lo = jnp.minimum(N[i], N[j])
        N[i], N[j] = hi, lo
    return _merge_sorted(R, N)


def _merge_sorted(R, N):
    M = [jnp.maximum(R[i], N[KTOP - 1 - i]) for i in range(KTOP)]
    for i, j in _BITONIC8:
        hi = jnp.maximum(M[i], M[j])
        lo = jnp.minimum(M[i], M[j])
        M[i], M[j] = hi, lo
    return tuple(M)


def _sc_body(x_hbm, out_hbm, buf0, buf1, acc, sem0, sem1):
    info = plsc.get_sparse_core_info()
    nc = info.num_cores
    wid = lax.axis_index("s") * nc + lax.axis_index("c")
    bufs = (buf0, buf1)
    sems = (sem0, sem1)
    b = wid // (NCOL // STRIPE)
    col0 = (wid % (NCOL // STRIPE)) * STRIPE

    neg = jnp.full((LANES,), -jnp.inf, jnp.float32)
    for j in range(KTOP):
        for g in range(GSTRIPE):
            acc[j, pl.ds(g * LANES, LANES)] = neg

    def chunk_copy(c, slot):
        return pltpu.async_copy(
            x_hbm.at[b, pl.ds(c * CHUNK, CHUNK), pl.ds(col0, STRIPE)],
            bufs[slot], sems[slot])

    def group_pass(g, buf):
        off = pl.multiple_of(g * LANES, LANES)
        R = tuple(acc[j, pl.ds(off, LANES)] for j in range(KTOP))

        def body(k, R):
            rows = tuple(buf[k * KTOP + i, pl.ds(off, LANES)]
                         for i in range(KTOP))
            return _merge_batch(R, rows)

        R = lax.fori_loop(0, CHUNK // KTOP, body, R, unroll=2)
        for j in range(KTOP):
            acc[j, pl.ds(off, LANES)] = R[j]

    def chunk_step(c, slot):
        pltpu.make_async_copy(
            x_hbm.at[b, pl.ds(c * CHUNK, CHUNK), pl.ds(col0, STRIPE)],
            bufs[slot], sems[slot]).wait()

        @pl.when(c + 1 < NCHUNK)
        def _():
            chunk_copy(c + 1, 1 - slot)

        lax.fori_loop(0, GSTRIPE,
                      lambda g, _: (group_pass(g, bufs[slot]), 0)[1], 0)

    chunk_copy(0, 0)

    def outer(cc, _):
        chunk_step(cc * 2, 0)
        chunk_step(cc * 2 + 1, 1)
        return 0

    lax.fori_loop(0, NCHUNK // 2, outer, 0)
    pltpu.sync_copy(acc, out_hbm.at[b, :, pl.ds(col0, STRIPE)])


def kernel(inputs):
    x3 = inputs.reshape(B, S, NCOL)
    mesh = plsc.VectorSubcoreMesh(core_axis_name="c", subcore_axis_name="s")
    run = functools.partial(
        pl.kernel, mesh=mesh,
        out_type=jax.ShapeDtypeStruct((B, KTOP, NCOL), jnp.float32),
        scratch_types=[
            pltpu.VMEM((CHUNK, STRIPE), jnp.float32),
            pltpu.VMEM((CHUNK, STRIPE), jnp.float32),
            pltpu.VMEM((KTOP, STRIPE), jnp.float32),
            pltpu.SemaphoreType.DMA,
            pltpu.SemaphoreType.DMA,
        ],
    )(_sc_body)
    return run(x3).reshape(B, KTOP, D, C)

# --- scband reference (transcript-rebuilt; emitter-appended) ---
"""Pipeline reference for scband-kmax-pooling-82772609728874 (READ-ONLY COPY).

The authoritative reference and input builder live on the scoring server;
editing this copy changes nothing except your own understanding.
"""

import jax, jax.numpy as jnp
import numpy as np

KTOP = 8  # L and l are None in init, so build() sets k = ktop = 8

def setup_inputs(seed: int = 0) -> dict:
    key = jax.random.key(seed)
    x = jax.random.normal(key, (4, 8192, 128, 8), dtype=jnp.float32)
    return {"inputs": x}

def reference(inputs):
    # KMaxPooling.call: transpose so the time axis (axis 1) becomes last,
    # take top-k values along it, transpose back.
    inputs_trans = jnp.transpose(inputs, (0, 3, 2, 1))          # [B, C, D, S]
    kmax_vals, _ = jax.lax.top_k(inputs_trans, KTOP)            # [B, C, D, k]
    inputs_kmax = jnp.transpose(kmax_vals, (0, 3, 2, 1))        # [B, k, D, C]
    return inputs_kmax

if __name__ == "__main__":
    import jax
    _d = setup_inputs()
    print(jax.jit(kernel)(*tuple(_d.values())))

</pallas_src>

<mosaic_0001>
#map = affine_map<(d0, d1) -> (0, 0, 0)>
module attributes {stable_mosaic.version = 14 : i64} {
  func.func @_sc_body(%arg0: i32, %arg1: i32, %arg2: memref<4x8192x1024xf32, #tpu.memory_space<hbm>>, %arg3: memref<4x8x1024xf32, #tpu.memory_space<hbm>>, %arg4: memref<256x128xf32, #tpu.memory_space<vmem>>, %arg5: memref<256x128xf32, #tpu.memory_space<vmem>>, %arg6: memref<8x128xf32, #tpu.memory_space<vmem>>, %arg7: memref<!tpu.dma_semaphore, #tpu.memory_space<semaphore_mem>>, %arg8: memref<!tpu.dma_semaphore, #tpu.memory_space<semaphore_mem>>) attributes {dimension_semantics = [#tpu.dimension_semantics<core_parallel>, #tpu.dimension_semantics<subcore_parallel>], iteration_bounds = array<i64: 2, 16>, scalar_prefetch = 0 : i64, scratch_operands = 5 : i64, tpu.core_type = #tpu.core_type<sc_vector_subcore>, window_params = [{transform_indices = #map}, {transform_indices = #map}]} {
    %mul3A = arith.constant 2 : i32
    %mul3A_0 = arith.muli %arg1, %mul3A : i32
    %add3A = arith.addi %mul3A_0, %arg0 : i32
    %jit3A = arith.constant 8 : i32
    %div3A = arith.divsi %add3A, %jit3A : i32
    %sign3A = arith.constant 0 : i32
    %sign3A_1 = arith.cmpi sgt, %add3A, %sign3A : i32
    %sign3A_2 = arith.extui %sign3A_1 : i1 to i32
    %sign3A_3 = arith.constant 0 : i32
    %sign3A_4 = arith.cmpi slt, %add3A, %sign3A_3 : i32
    %sign3A_5 = arith.extui %sign3A_4 : i1 to i32
    %sign3A_6 = arith.subi %sign3A_2, %sign3A_5 : i32
    %sign3A_7 = arith.constant 0 : i32
    %sign3A_8 = arith.cmpi sgt, %jit3A, %sign3A_7 : i32
    %sign3A_9 = arith.extui %sign3A_8 : i1 to i32
    %sign3A_10 = arith.constant 0 : i32
    %sign3A_11 = arith.cmpi slt, %jit3A, %sign3A_10 : i32
    %sign3A_12 = arith.extui %sign3A_11 : i1 to i32
    %sign3A_13 = arith.subi %sign3A_9, %sign3A_12 : i32
    %ne3A = arith.cmpi ne, %sign3A_6, %sign3A_13 : i32
    %rem3A = arith.remsi %add3A, %jit3A : i32
    %ne3A_14 = arith.constant 0 : i32
    %ne3A_15 = arith.cmpi ne, %rem3A, %ne3A_14 : i32
    %and3A = arith.andi %ne3A, %ne3A_15 : i1
    %sub3A = arith.constant 1 : i32
    %sub3A_16 = arith.subi %div3A, %sub3A : i32
    %select_n3A = arith.select %and3A, %sub3A_16, %div3A : i32
    %jit3A_17 = arith.constant 8 : i32
    %eq3A = arith.constant 0 : i32
    %eq3A_18 = arith.cmpi eq, %jit3A_17, %eq3A : i32
    %jit3A_19 = arith.constant 1 : i32
    %select_n3A_20 = arith.select %eq3A_18, %jit3A_19, %jit3A_17 : i32
    %rem3A_21 = arith.remsi %add3A, %select_n3A_20 : i32
    %ne3A_22 = arith.constant 0 : i32
    %ne3A_23 = arith.cmpi ne, %rem3A_21, %ne3A_22 : i32
    %lt3A = arith.constant 0 : i32
    %lt3A_24 = arith.cmpi slt, %rem3A_21, %lt3A : i32
    %lt3A_25 = arith.constant 0 : i32
    %lt3A_26 = arith.cmpi slt, %select_n3A_20, %lt3A_25 : i32
    %ne3A_27 = arith.xori %lt3A_24, %lt3A_26 : i1
    %and3A_28 = arith.andi %ne3A_27, %ne3A_23 : i1
    %add3A_29 = arith.addi %rem3A_21, %select_n3A_20 : i32
    %select_n3A_30 = arith.select %and3A_28, %add3A_29, %rem3A_21 : i32
    %mul3A_31 = arith.constant 128 : i32
    %mul3A_32 = arith.muli %select_n3A_30, %mul3A_31 : i32
    %broadcast_in_dim3A = arith.constant 0xFF800000 : f32
    %broadcast_in_dim3A_33 = vector.broadcast %broadcast_in_dim3A : f32 to vector<16xf32>
    %swap3A = arith.constant 0 : i32
    %swap3A_34 = arith.index_cast %swap3A : i32 to index
    %swap3A_35 = arith.constant 0 : index
    %swap3A_36 = tpu.vector_load %arg6[%swap3A_34, %swap3A_35] {strides = array<i32>} : memref<8x128xf32, #tpu.memory_space<vmem>>, vector<1x16xf32>,
    %swap3A_37 = vector.shape_cast %swap3A_36 : vector<1x16xf32> to vector<16xf32>
    %swap3A_38 = vector.shape_cast %broadcast_in_dim3A_33 : vector<16xf32> to vector<1x16xf32>
    tpu.vector_store %arg6[%swap3A_34, %swap3A_35], %swap3A_38 {strides = array<i32>} : memref<8x128xf32, #tpu.memory_space<vmem>>, vector<1x16xf32>,
    %swap3A_39 = arith.constant 0 : i32
    %swap3A_40 = arith.index_cast %swap3A_39 : i32 to index
    %swap3A_41 = arith.constant 16 : index
    %swap3A_42 = tpu.vector_load %arg6[%swap3A_40, %swap3A_41] {strides = array<i32>} : memref<8x128xf32, #tpu.memory_space<vmem>>, vector<1x16xf32>,
    %swap3A_43 = vector.shape_cast %swap3A_42 : vector<1x16xf32> to vector<16xf32>
    %swap3A_44 = vector.shape_cast %broadcast_in_dim3A_33 : vector<16xf32> to vector<1x16xf32>
    tpu.vector_store %arg6[%swap3A_40, %swap3A_41], %swap3A_44 {strides = array<i32>} : memref<8x128xf32, #tpu.memory_space<vmem>>, vector<1x16xf32>,
    %swap3A_45 = arith.constant 0 : i32
    %swap3A_46 = arith.index_cast %swap3A_45 : i32 to index
    %swap3A_47 = arith.constant 32 : index
    %swap3A_48 = tpu.vector_load %arg6[%swap3A_46, %swap3A_47] {strides = array<i32>} : memref<8x128xf32, #tpu.memory_space<vmem>>, vector<1x16xf32>,
    %swap3A_49 = vector.shape_cast %swap3A_48 : vector<1x16xf32> to vector<16xf32>
    %swap3A_50 = vector.shape_cast %broadcast_in_dim3A_33 : vector<16xf32> to vector<1x16xf32>
    tpu.vector_store %arg6[%swap3A_46, %swap3A_47], %swap3A_50 {strides = array<i32>} : memref<8x128xf32, #tpu.memory_space<vmem>>, vector<1x16xf32>,
    %swap3A_51 = arith.constant 0 : i32
    %swap3A_52 = arith.index_cast %swap3A_51 : i32 to index
    %swap3A_53 = arith.constant 48 : index
    %swap3A_54 = tpu.vector_load %arg6[%swap3A_52, %swap3A_53] {strides = array<i32>} : memref<8x128xf32, #tpu.memory_space<vmem>>, vector<1x16xf32>,
    %swap3A_55 = vector.shape_cast %swap3A_54 : vector<1x16xf32> to vector<16xf32>
    %swap3A_56 = vector.shape_cast %broadcast_in_dim3A_33 : vector<16xf32> to vector<1x16xf32>
    tpu.vector_store %arg6[%swap3A_52, %swap3A_53], %swap3A_56 {strides = array<i32>} : memref<8x128xf32, #tpu.memory_space<vmem>>, vector<1x16xf32>,
    %swap3A_57 = arith.constant 0 : i32
    %swap3A_58 = arith.index_cast %swap3A_57 : i32 to index
    %swap3A_59 = arith.constant 64 : index
    %swap3A_60 = tpu.vector_load %arg6[%swap3A_58, %swap3A_59] {strides = array<i32>} : memref<8x128xf32, #tpu.memory_space<vmem>>, vector<1x16xf32>,
    %swap3A_61 = vector.shape_cast %swap3A_60 : vector<1x16xf32> to vector<16xf32>
    %swap3A_62 = vector.shape_cast %broadcast_in_dim3A_33 : vector<16xf32> to vector<1x16xf32>
    tpu.vector_store %arg6[%swap3A_58, %swap3A_59], %swap3A_62 {strides = array<i32>} : memref<8x128xf32, #tpu.memory_space<vmem>>, vector<1x16xf32>,
    %swap3A_63 = arith.constant 0 : i32
    %swap3A_64 = arith.index_cast %swap3A_63 : i32 to index
    %swap3A_65 = arith.constant 80 : index
    %swap3A_66 = tpu.vector_load %arg6[%swap3A_64, %swap3A_65] {strides = array<i32>} : memref<8x128xf32, #tpu.memory_space<vmem>>, vector<1x16xf32>,
    %swap3A_67 = vector.shape_cast %swap3A_66 : vector<1x16xf32> to vector<16xf32>
    %swap3A_68 = vector.shape_cast %broadcast_in_dim3A_33 : vector<16xf32> to vector<1x16xf32>
    tpu.vector_store %arg6[%swap3A_64, %swap3A_65], %swap3A_68 {strides = array<i32>} : memref<8x128xf32, #tpu.memory_space<vmem>>, vector<1x16xf32>,
    %swap3A_69 = arith.constant 0 : i32
    %swap3A_70 = arith.index_cast %swap3A_69 : i32 to index
    %swap3A_71 = arith.constant 96 : index
    %swap3A_72 = tpu.vector_load %arg6[%swap3A_70, %swap3A_71] {strides = array<i32>} : memref<8x128xf32, #tpu.memory_space<vmem>>, vector<1x16xf32>,
    %swap3A_73 = vector.shape_cast %swap3A_72 : vector<1x16xf32> to vector<16xf32>
    %swap3A_74 = vector.shape_cast %broadcast_in_dim3A_33 : vector<16xf32> to vector<1x16xf32>
    tpu.vector_store %arg6[%swap3A_70, %swap3A_71], %swap3A_74 {strides = array<i32>} : memref<8x128xf32, #tpu.memory_space<vmem>>, vector<1x16xf32>,
    %swap3A_75 = arith.constant 0 : i32
    %swap3A_76 = arith.index_cast %swap3A_75 : i32 to index
    %swap3A_77 = arith.constant 112 : index
    %swap3A_78 = tpu.vector_load %arg6[%swap3A_76, %swap3A_77] {strides = array<i32>} : memref<8x128xf32, #tpu.memory_space<vmem>>, vector<1x16xf32>,
    %swap3A_79 = vector.shape_cast %swap3A_78 : vector<1x16xf32> to vector<16xf32>
    %swap3A_80 = vector.shape_cast %broadcast_in_dim3A_33 : vector<16xf32> to vector<1x16xf32>
    tpu.vector_store %arg6[%swap3A_76, %swap3A_77], %swap3A_80 {strides = array<i32>} : memref<8x128xf32, #tpu.memory_space<vmem>>, vector<1x16xf32>,
    %swap3A_81 = arith.constant 1 : i32
    %swap3A_82 = arith.index_cast %swap3A_81 : i32 to index
    %swap3A_83 = arith.constant 0 : index
    %swap3A_84 = tpu.vector_load %arg6[%swap3A_82, %swap3A_83] {strides = array<i32>} : memref<8x128xf32, #tpu.memory_space<vmem>>, vector<1x16xf32>,
    %swap3A_85 = vector.shape_cast %swap3A_84 : vector<1x16xf32> to vector<16xf32>
    %swap3A_86 = vector.shape_cast %broadcast_in_dim3A_33 : vector<16xf32> to vector<1x16xf32>
    tpu.vector_store %arg6[%swap3A_82, %swap3A_83], %swap3A_86 {strides = array<i32>} : memref<8x128xf32, #tpu.memory_space<vmem>>, vector<1x16xf32>,
    %swap3A_87 = arith.constant 1 : i32
    %swap3A_88 = arith.index_cast %swap3A_87 : i32 to index
    %swap3A_89 = arith.constant 16 : index
    %swap3A_90 = tpu.vector_load %arg6[%swap3A_88, %swap3A_89] {strides = array<i32>} : memref<8x128xf32, #tpu.memory_space<vmem>>, vector<1x16xf32>,
    %swap3A_91 = vector.shape_cast %swap3A_90 : vector<1x16xf32> to vector<16xf32>
    %swap3A_92 = vector.shape_cast %broadcast_in_dim3A_33 : vector<16xf32> to vector<1x16xf32>
    tpu.vector_store %arg6[%swap3A_88, %swap3A_89], %swap3A_92 {strides = array<i32>} : memref<8x128xf32, #tpu.memory_space<vmem>>, vector<1x16xf32>,
    %swap3A_93 = arith.constant 1 : i32
    %swap3A_94 = arith.index_cast %swap3A_93 : i32 to index
    %swap3A_95 = arith.constant 32 : index
    %swap3A_96 = tpu.vector_load %arg6[%swap3A_94, %swap3A_95] {strides = array<i32>} : memref<8x128xf32, #tpu.memory_space<vmem>>, vector<1x16xf32>,
    %swap3A_97 = vector.shape_cast %swap3A_96 : vector<1x16xf32> to vector<16xf32>
    %swap3A_98 = vector.shape_cast %broadcast_in_dim3A_33 : vector<16xf32> to vector<1x16xf32>
    tpu.vector_store %arg6[%swap3A_94, %swap3A_95], %swap3A_98 {strides = array<i32>} : memref<8x128xf32, #tpu.memory_space<vmem>>, vector<1x16xf32>,
    %swap3A_99 = arith.constant 1 : i32
    %swap3A_100 = arith.index_cast %swap3A_99 : i32 to index
    %swap3A_101 = arith.constant 48 : index
    %swap3A_102 = tpu.vector_load %arg6[%swap3A_100, %swap3A_101] {strides = array<i32>} : memref<8x128xf32, #tpu.memory_space<vmem>>, vector<1x16xf32>,
    %swap3A_103 = vector.shape_cast %swap3A_102 : vector<1x16xf32> to vector<16xf32>
    %swap3A_104 = vector.shape_cast %broadcast_in_dim3A_33 : vector<16xf32> to vector<1x16xf32>
    tpu.vector_store %arg6[%swap3A_100, %swap3A_101], %swap3A_104 {strides = array<i32>} : memref<8x128xf32, #tpu.memory_space<vmem>>, vector<1x16xf32>,
    %swap3A_105 = arith.constant 1 : i32
    %swap3A_106 = arith.index_cast %swap3A_105 : i32 to index
    %swap3A_107 = arith.constant 64 : index
    %swap3A_108 = tpu.vector_load %arg6[%swap3A_106, %swap3A_107] {strides = array<i32>} : memref<8x128xf32, #tpu.memory_space<vmem>>, vector<1x16xf32>,
    %swap3A_109 = vector.shape_cast %swap3A_108 : vector<1x16xf32> to vector<16xf32>
    %swap3A_110 = vector.shape_cast %broadcast_in_dim3A_33 : vector<16xf32> to vector<1x16xf32>
    tpu.vector_store %arg6[%swap3A_106, %swap3A_107], %swap3A_110 {strides = array<i32>} : memref<8x128xf32, #tpu.memory_space<vmem>>, vector<1x16xf32>,
    %swap3A_111 = arith.constant 1 : i32
    %swap3A_112 = arith.index_cast %swap3A_111 : i32 to index
    %swap3A_113 = arith.constant 80 : index
    %swap3A_114 = tpu.vector_load %arg6[%swap3A_112, %swap3A_113] {strides = array<i32>} : memref<8x128xf32, #tpu.memory_space<vmem>>, vector<1x16xf32>,
    %swap3A_115 = vector.shape_cast %swap3A_114 : vector<1x16xf32> to vector<16xf32>
    %swap3A_116 = vector.shape_cast %broadcast_in_dim3A_33 : vector<16xf32> to vector<1x16xf32>
    tpu.vector_store %arg6[%swap3A_112, %swap3A_113], %swap3A_116 {strides = array<i32>} : memref<8x128xf32, #tpu.memory_space<vmem>>, vector<1x16xf32>,
    %swap3A_117 = arith.constant 1 : i32
    %swap3A_118 = arith.index_cast %swap3A_117 : i32 to index
    %swap3A_119 = arith.constant 96 : index
    %swap3A_120 = tpu.vector_load %arg6[%swap3A_118, %swap3A_119] {strides = array<i32>} : memref<8x128xf32, #tpu.memory_space<vmem>>, vector<1x16xf32>,
    %swap3A_121 = vector.shape_cast %swap3A_120 : vector<1x16xf32> to vector<16xf32>
    %swap3A_122 = vector.shape_cast %broadcast_in_dim3A_33 : vector<16xf32> to vector<1x16xf32>
    tpu.vector_store %arg6[%swap3A_118, %swap3A_119], %swap3A_122 {strides = array<i32>} : memref<8x128xf32, #tpu.memory_space<vmem>>, vector<1x16xf32>,
    %swap3A_123 = arith.constant 1 : i32
    %swap3A_124 = arith.index_cast %swap3A_123 : i32 to index
    %swap3A_125 = arith.constant 112 : index
    %swap3A_126 = tpu.vector_load %arg6[%swap3A_124, %swap3A_125] {strides = array<i32>} : memref<8x128xf32, #tpu.memory_space<vmem>>, vector<1x16xf32>,
    %swap3A_127 = vector.shape_cast %swap3A_126 : vector<1x16xf32> to vector<16xf32>
    %swap3A_128 = vector.shape_cast %broadcast_in_dim3A_33 : vector<16xf32> to vector<1x16xf32>
    tpu.vector_store %arg6[%swap3A_124, %swap3A_125], %swap3A_128 {strides = array<i32>} : memref<8x128xf32, #tpu.memory_space<vmem>>, vector<1x16xf32>,
    %swap3A_129 = arith.constant 2 : i32
    %swap3A_130 = arith.index_cast %swap3A_129 : i32 to index
    %swap3A_131 = arith.constant 0 : index
    %swap3A_132 = tpu.vector_load %arg6[%swap3A_130, %swap3A_131] {strides = array<i32>} : memref<8x128xf32, #tpu.memory_space<vmem>>, vector<1x16xf32>,
    %swap3A_133 = vector.shape_cast %swap3A_132 : vector<1x16xf32> to vector<16xf32>
    %swap3A_134 = vector.shape_cast %broadcast_in_dim3A_33 : vector<16xf32> to vector<1x16xf32>
    tpu.vector_store %arg6[%swap3A_130, %swap3A_131], %swap3A_134 {strides = array<i32>} : memref<8x128xf32, #tpu.memory_space<vmem>>, vector<1x16xf32>,
    %swap3A_135 = arith.constant 2 : i32
    %swap3A_136 = arith.index_cast %swap3A_135 : i32 to index
    %swap3A_137 = arith.constant 16 : index
    %swap3A_138 = tpu.vector_load %arg6[%swap3A_136, %swap3A_137] {strides = array<i32>} : memref<8x128xf32, #tpu.memory_space<vmem>>, vector<1x16xf32>,
    %swap3A_139 = vector.shape_cast %swap3A_138 : vector<1x16xf32> to vector<16xf32>
    %swap3A_140 = vector.shape_cast %broadcast_in_dim3A_33 : vector<16xf32> to vector<1x16xf32>
    tpu.vector_store %arg6[%swap3A_136, %swap3A_137], %swap3A_140 {strides = array<i32>} : memref<8x128xf32, #tpu.memory_space<vmem>>, vector<1x16xf32>,
    %swap3A_141 = arith.constant 2 : i32
    %swap3A_142 = arith.index_cast %swap3A_141 : i32 to index
    %swap3A_143 = arith.constant 32 : index
    %swap3A_144 = tpu.vector_load %arg6[%swap3A_142, %swap3A_143] {strides = array<i32>} : memref<8x128xf32, #tpu.memory_space<vmem>>, vector<1x16xf32>,
    %swap3A_145 = vector.shape_cast %swap3A_144 : vector<1x16xf32> to vector<16xf32>
    %swap3A_146 = vector.shape_cast %broadcast_in_dim3A_33 : vector<16xf32> to vector<1x16xf32>
    tpu.vector_store %arg6[%swap3A_142, %swap3A_143], %swap3A_146 {strides = array<i32>} : memref<8x128xf32, #tpu.memory_space<vmem>>, vector<1x16xf32>,
    %swap3A_147 = arith.constant 2 : i32
    %swap3A_148 = arith.index_cast %swap3A_147 : i32 to index
    %swap3A_149 = arith.constant 48 : index
    %swap3A_150 = tpu.vector_load %arg6[%swap3A_148, %swap3A_149] {strides = array<i32>} : memref<8x128xf32, #tpu.memory_space<vmem>>, vector<1x16xf32>,
    %swap3A_151 = vector.shape_cast %swap3A_150 : vector<1x16xf32> to vector<16xf32>
    %swap3A_152 = vector.shape_cast %broadcast_in_dim3A_33 : vector<16xf32> to vector<1x16xf32>
    tpu.vector_store %arg6[%swap3A_148, %swap3A_149], %swap3A_152 {strides = array<i32>} : memref<8x128xf32, #tpu.memory_space<vmem>>, vector<1x16xf32>,
    %swap3A_153 = arith.constant 2 : i32
    %swap3A_154 = arith.index_cast %swap3A_153 : i32 to index
    %swap3A_155 = arith.constant 64 : index
    %swap3A_156 = tpu.vector_load %arg6[%swap3A_154, %swap3A_155] {strides = array<i32>} : memref<8x128xf32, #tpu.memory_space<vmem>>, vector<1x16xf32>,
    %swap3A_157 = vector.shape_cast %swap3A_156 : vector<1x16xf32> to vector<16xf32>
    %swap3A_158 = vector.shape_cast %broadcast_in_dim3A_33 : vector<16xf32> to vector<1x16xf32>
    tpu.vector_store %arg6[%swap3A_154, %swap3A_155], %swap3A_158 {strides = array<i32>} : memref<8x128xf32, #tpu.memory_space<vmem>>, vector<1x16xf32>,
    %swap3A_159 = arith.constant 2 : i32
    %swap3A_160 = arith.index_cast %swap3A_159 : i32 to index
    %swap3A_161 = arith.constant 80 : index
    %swap3A_162 = tpu.vector_load %arg6[%swap3A_160, %swap3A_161] {strides = array<i32>} : memref<8x128xf32, #tpu.memory_space<vmem>>, vector<1x16xf32>,
    %swap3A_163 = vector.shape_cast %swap3A_162 : vector<1x16xf32> to vector<16xf32>
    %swap3A_164 = vector.shape_cast %broadcast_in_dim3A_33 : vector<16xf32> to vector<1x16xf32>
    tpu.vector_store %arg6[%swap3A_160, %swap3A_161], %swap3A_164 {strides = array<i32>} : memref<8x128xf32, #tpu.memory_space<vmem>>, vector<1x16xf32>,
    %swap3A_165 = arith.constant 2 : i32
    %swap3A_166 = arith.index_cast %swap3A_165 : i32 to index
    %swap3A_167 = arith.constant 96 : index
    %swap3A_168 = tpu.vector_load %arg6[%swap3A_166, %swap3A_167] {strides = array<i32>} : memref<8x128xf32, #tpu.memory_space<vmem>>, vector<1x16xf32>,
    %swap3A_169 = vector.shape_cast %swap3A_168 : vector<1x16xf32> to vector<16xf32>
    %swap3A_170 = vector.shape_cast %broadcast_in_dim3A_33 : vector<16xf32> to vector<1x16xf32>
    tpu.vector_store %arg6[%swap3A_166, %swap3A_167], %swap3A_170 {strides = array<i32>} : memref<8x128xf32, #tpu.memory_space<vmem>>, vector<1x16xf32>,
    %swap3A_171 = arith.constant 2 : i32
    %swap3A_172 = arith.index_cast %swap3A_171 : i32 to index
    %swap3A_173 = arith.constant 112 : index
    %swap3A_174 = tpu.vector_load %arg6[%swap3A_172, %swap3A_173] {strides = array<i32>} : memref<8x128xf32, #tpu.memory_space<vmem>>, vector<1x16xf32>,
    %swap3A_175 = vector.shape_cast %swap3A_174 : vector<1x16xf32> to vector<16xf32>
    %swap3A_176 = vector.shape_cast %broadcast_in_dim3A_33 : vector<16xf32> to vector<1x16xf32>
    tpu.vector_store %arg6[%swap3A_172, %swap3A_173], %swap3A_176 {strides = array<i32>} : memref<8x128xf32, #tpu.memory_space<vmem>>, vector<1x16xf32>,
    %swap3A_177 = arith.constant 3 : i32
    %swap3A_178 = arith.index_cast %swap3A_177 : i32 to index
    %swap3A_179 = arith.constant 0 : index
    %swap3A_180 = tpu.vector_load %arg6[%swap3A_178, %swap3A_179] {strides = array<i32>} : memref<8x128xf32, #tpu.memory_space<vmem>>, vector<1x16xf32>,
    %swap3A_181 = vector.shape_cast %swap3A_180 : vector<1x16xf32> to vector<16xf32>
    %swap3A_182 = vector.shape_cast %broadcast_in_dim3A_33 : vector<16xf32> to vector<1x16xf32>
    tpu.vector_store %arg6[%swap3A_178, %swap3A_179], %swap3A_182 {strides = array<i32>} : memref<8x128xf32, #tpu.memory_space<vmem>>, vector<1x16xf32>,
    %swap3A_183 = arith.constant 3 : i32
    %swap3A_184 = arith.index_cast %swap3A_183 : i32 to index
    %swap3A_185 = arith.constant 16 : index
    %swap3A_186 = tpu.vector_load %arg6[%swap3A_184, %swap3A_185] {strides = array<i32>} : memref<8x128xf32, #tpu.memory_space<vmem>>, vector<1x16xf32>,
    %swap3A_187 = vector.shape_cast %swap3A_186 : vector<1x16xf32> to vector<16xf32>
    %swap3A_188 = vector.shape_cast %broadcast_in_dim3A_33 : vector<16xf32> to vector<1x16xf32>
    tpu.vector_store %arg6[%swap3A_184, %swap3A_185], %swap3A_188 {strides = array<i32>} : memref<8x128xf32, #tpu.memory_space<vmem>>, vector<1x16xf32>,
    %swap3A_189 = arith.constant 3 : i32
    %swap3A_190 = arith.index_cast %swap3A_189 : i32 to index
    %swap3A_191 = arith.constant 32 : index
    %swap3A_192 = tpu.vector_load %arg6[%swap3A_190, %swap3A_191] {strides = array<i32>} : memref<8x128xf32, #tpu.memory_space<vmem>>, vector<1x16xf32>,
    %swap3A_193 = vector.shape_cast %swap3A_192 : vector<1x16xf32> to vector<16xf32>
    %swap3A_194 = vector.shape_cast %broadcast_in_dim3A_33 : vector<16xf32> to vector<1x16xf32>
    tpu.vector_store %arg6[%swap3A_190, %swap3A_191], %swap3A_194 {strides = array<i32>} : memref<8x128xf32, #tpu.memory_space<vmem>>, vector<1x16xf32>,
    %swap3A_195 = arith.constant 3 : i32
    %swap3A_196 = arith.index_cast %swap3A_195 : i32 to index
    %swap3A_197 = arith.constant 48 : index
    %swap3A_198 = tpu.vector_load %arg6[%swap3A_196, %swap3A_197] {strides = array<i32>} : memref<8x128xf32, #tpu.memory_space<vmem>>, vector<1x16xf32>,
    %swap3A_199 = vector.shape_cast %swap3A_198 : vector<1x16xf32> to vector<16xf32>
    %swap3A_200 = vector.shape_cast %broadcast_in_dim3A_33 : vector<16xf32> to vector<1x16xf32>
    tpu.vector_store %arg6[%swap3A_196, %swap3A_197], %swap3A_200 {strides = array<i32>} : memref<8x128xf32, #tpu.memory_space<vmem>>, vector<1x16xf32>,
    %swap3A_201 = arith.constant 3 : i32
    %swap3A_202 = arith.index_cast %swap3A_201 : i32 to index
    %swap3A_203 = arith.constant 64 : index
    %swap3A_204 = tpu.vector_load %arg6[%swap3A_202, %swap3A_203] {strides = array<i32>} : memref<8x128xf32, #tpu.memory_space<vmem>>, vector<1x16xf32>,
    %swap3A_205 = vector.shape_cast %swap3A_204 : vector<1x16xf32> to vector<16xf32>
    %swap3A_206 = vector.shape_cast %broadcast_in_dim3A_33 : vector<16xf32> to vector<1x16xf32>
    tpu.vector_store %arg6[%swap3A_202, %swap3A_203], %swap3A_206 {strides = array<i32>} : memref<8x128xf32, #tpu.memory_space<vmem>>, vector<1x16xf32>,
    %swap3A_207 = arith.constant 3 : i32
    %swap3A_208 = arith.index_cast %swap3A_207 : i32 to index
    %swap3A_209 = arith.constant 80 : index
    %swap3A_210 = tpu.vector_load %arg6[%swap3A_208, %swap3A_209] {strides = array<i32>} : memref<8x128xf32, #tpu.memory_space<vmem>>, vector<1x16xf32>,
    %swap3A_211 = vector.shape_cast %swap3A_210 : vector<1x16xf32> to vector<16xf32>
    %swap3A_212 = vector.shape_cast %broadcast_in_dim3A_33 : vector<16xf32> to vector<1x16xf32>
    tpu.vector_store %arg6[%swap3A_208, %swap3A_209], %swap3A_212 {strides = array<i32>} : memref<8x128xf32, #tpu.memory_space<vmem>>, vector<1x16xf32>,
    %swap3A_213 = arith.constant 3 : i32
    %swap3A_214 = arith.index_cast %swap3A_213 : i32 to index
    %swap3A_215 = arith.constant 96 : index
    %swap3A_216 = tpu.vector_load %arg6[%swap3A_214, %swap3A_215] {strides = array<i32>} : memref<8x128xf32, #tpu.memory_space<vmem>>, vector<1x16xf32>,
    %swap3A_217 = vector.shape_cast %swap3A_216 : vector<1x16xf32> to vector<16xf32>
    %swap3A_218 = vector.shape_cast %broadcast_in_dim3A_33 : vector<16xf32> to vector<1x16xf32>
    tpu.vector_store %arg6[%swap3A_214, %swap3A_215], %swap3A_218 {strides = array<i32>} : memref<8x128xf32, #tpu.memory_space<vmem>>, vector<1x16xf32>,
    %swap3A_219 = arith.constant 3 : i32
    %swap3A_220 = arith.index_cast %swap3A_219 : i32 to index
    %swap3A_221 = arith.constant 112 : index
    %swap3A_222 = tpu.vector_load %arg6[%swap3A_220, %swap3A_221] {strides = array<i32>} : memref<8x128xf32, #tpu.memory_space<vmem>>, vector<1x16xf32>,
    %swap3A_223 = vector.shape_cast %swap3A_222 : vector<1x16xf32> to vector<16xf32>
    %swap3A_224 = vector.shape_cast %broadcast_in_dim3A_33 : vector<16xf32> to vector<1x16xf32>
    tpu.vector_store %arg6[%swap3A_220, %swap3A_221], %swap3A_224 {strides = array<i32>} : memref<8x128xf32, #tpu.memory_space<vmem>>, vector<1x16xf32>,
    %swap3A_225 = arith.constant 4 : i32
    %swap3A_226 = arith.index_cast %swap3A_225 : i32 to index
    %swap3A_227 = arith.constant 0 : index
    %swap3A_228 = tpu.vector_load %arg6[%swap3A_226, %swap3A_227] {strides = array<i32>} : memref<8x128xf32, #tpu.memory_space<vmem>>, vector<1x16xf32>,
    %swap3A_229 = vector.shape_cast %swap3A_228 : vector<1x16xf32> to vector<16xf32>
    %swap3A_230 = vector.shape_cast %broadcast_in_dim3A_33 : vector<16xf32> to vector<1x16xf32>
    tpu.vector_store %arg6[%swap3A_226, %swap3A_227], %swap3A_230 {strides = array<i32>} : memref<8x128xf32, #tpu.memory_space<vmem>>, vector<1x16xf32>,
    %swap3A_231 = arith.constant 4 : i32
    %swap3A_232 = arith.index_cast %swap3A_231 : i32 to index
    %swap3A_233 = arith.constant 16 : index
    %swap3A_234 = tpu.vector_load %arg6[%swap3A_232, %swap3A_233] {strides = array<i32>} : memref<8x128xf32, #tpu.memory_space<vmem>>, vector<1x16xf32>,
    %swap3A_235 = vector.shape_cast %swap3A_234 : vector<1x16xf32> to vector<16xf32>
    %swap3A_236 = vector.shape_cast %broadcast_in_dim3A_33 : vector<16xf32> to vector<1x16xf32>
    tpu.vector_store %arg6[%swap3A_232, %swap3A_233], %swap3A_236 {strides = array<i32>} : memref<8x128xf32, #tpu.memory_space<vmem>>, vector<1x16xf32>,
    %swap3A_237 = arith.constant 4 : i32
    %swap3A_238 = arith.index_cast %swap3A_237 : i32 to index
    %swap3A_239 = arith.constant 32 : index
    %swap3A_240 = tpu.vector_load %arg6[%swap3A_238, %swap3A_239] {strides = array<i32>} : memref<8x128xf32, #tpu.memory_space<vmem>>, vector<1x16xf32>,
    %swap3A_241 = vector.shape_cast %swap3A_240 : vector<1x16xf32> to vector<16xf32>
    %swap3A_242 = vector.shape_cast %broadcast_in_dim3A_33 : vector<16xf32> to vector<1x16xf32>
    tpu.vector_store %arg6[%swap3A_238, %swap3A_239], %swap3A_242 {strides = array<i32>} : memref<8x128xf32, #tpu.memory_space<vmem>>, vector<1x16xf32>,
    %swap3A_243 = arith.constant 4 : i32
    %swap3A_244 = arith.index_cast %swap3A_243 : i32 to index
    %swap3A_245 = arith.constant 48 : index
    %swap3A_246 = tpu.vector_load %arg6[%swap3A_244, %swap3A_245] {strides = array<i32>} : memref<8x128xf32, #tpu.memory_space<vmem>>, vector<1x16xf32>,
    %swap3A_247 = vector.shape_cast %swap3A_246 : vector<1x16xf32> to vector<16xf32>
    %swap3A_248 = vector.shape_cast %broadcast_in_dim3A_33 : vector<16xf32> to vector<1x16xf32>
    tpu.vector_store %arg6[%swap3A_244, %swap3A_245], %swap3A_248 {strides = array<i32>} : memref<8x128xf32, #tpu.memory_space<vmem>>, vector<1x16xf32>,
    %swap3A_249 = arith.constant 4 : i32
    %swap3A_250 = arith.index_cast %swap3A_249 : i32 to index
    %swap3A_251 = arith.constant 64 : index
    %swap3A_252 = tpu.vector_load %arg6[%swap3A_250, %swap3A_251] {strides = array<i32>} : memref<8x128xf32, #tpu.memory_space<vmem>>, vector<1x16xf32>,
    %swap3A_253 = vector.shape_cast %swap3A_252 : vector<1x16xf32> to vector<16xf32>
    %swap3A_254 = vector.shape_cast %broadcast_in_dim3A_33 : vector<16xf32> to vector<1x16xf32>
    tpu.vector_store %arg6[%swap3A_250, %swap3A_251], %swap3A_254 {strides = array<i32>} : memref<8x128xf32, #tpu.memory_space<vmem>>, vector<1x16xf32>,
    %swap3A_255 = arith.constant 4 : i32
    %swap3A_256 = arith.index_cast %swap3A_255 : i32 to index
    %swap3A_257 = arith.constant 80 : index
    %swap3A_258 = tpu.vector_load %arg6[%swap3A_256, %swap3A_257] {strides = array<i32>} : memref<8x128xf32, #tpu.memory_space<vmem>>, vector<1x16xf32>,
    %swap3A_259 = vector.shape_cast %swap3A_258 : vector<1x16xf32> to vector<16xf32>
    %swap3A_260 = vector.shape_cast %broadcast_in_dim3A_33 : vector<16xf32> to vector<1x16xf32>
    tpu.vector_store %arg6[%swap3A_256, %swap3A_257], %swap3A_260 {strides = array<i32>} : memref<8x128xf32, #tpu.memory_space<vmem>>, vector<1x16xf32>,
    %swap3A_261 = arith.constant 4 : i32
    %swap3A_262 = arith.index_cast %swap3A_261 : i32 to index
    %swap3A_263 = arith.constant 96 : index
    %swap3A_264 = tpu.vector_load %arg6[%swap3A_262, %swap3A_263] {strides = array<i32>} : memref<8x128xf32, #tpu.memory_space<vmem>>, vector<1x16xf32>,
    %swap3A_265 = vector.shape_cast %swap3A_264 : vector<1x16xf32> to vector<16xf32>
    %swap3A_266 = vector.shape_cast %broadcast_in_dim3A_33 : vector<16xf32> to vector<1x16xf32>
    tpu.vector_store %arg6[%swap3A_262, %swap3A_263], %swap3A_266 {strides = array<i32>} : memref<8x128xf32, #tpu.memory_space<vmem>>, vector<1x16xf32>,
    %swap3A_267 = arith.constant 4 : i32
    %swap3A_268 = arith.index_cast %swap3A_267 : i32 to index
    %swap3A_269 = arith.constant 112 : index
    %swap3A_270 = tpu.vector_load %arg6[%swap3A_268, %swap3A_269] {strides = array<i32>} : memref<8x128xf32, #tpu.memory_space<vmem>>, vector<1x16xf32>,
    %swap3A_271 = vector.shape_cast %swap3A_270 : vector<1x16xf32> to vector<16xf32>
    %swap3A_272 = vector.shape_cast %broadcast_in_dim3A_33 : vector<16xf32> to vector<1x16xf32>
    tpu.vector_store %arg6[%swap3A_268, %swap3A_269], %swap3A_272 {strides = array<i32>} : memref<8x128xf32, #tpu.memory_space<vmem>>, vector<1x16xf32>,
    %swap3A_273 = arith.constant 5 : i32
    %swap3A_274 = arith.index_cast %swap3A_273 : i32 to index
    %swap3A_275 = arith.constant 0 : index
    %swap3A_276 = tpu.vector_load %arg6[%swap3A_274, %swap3A_275] {strides = array<i32>} : memref<8x128xf32, #tpu.memory_space<vmem>>, vector<1x16xf32>,
    %swap3A_277 = vector.shape_cast %swap3A_276 : vector<1x16xf32> to vector<16xf32>
    %swap3A_278 = vector.shape_cast %broadcast_in_dim3A_33 : vector<16xf32> to vector<1x16xf32>
    tpu.vector_store %arg6[%swap3A_274, %swap3A_275], %swap3A_278 {strides = array<i32>} : memref<8x128xf32, #tpu.memory_space<vmem>>, vector<1x16xf32>,
    %swap3A_279 = arith.constant 5 : i32
    %swap3A_280 = arith.index_cast %swap3A_279 : i32 to index
    %swap3A_281 = arith.constant 16 : index
    %swap3A_282 = tpu.vector_load %arg6[%swap3A_280, %swap3A_281] {strides = array<i32>} : memref<8x128xf32, #tpu.memory_space<vmem>>, vector<1x16xf32>,
    %swap3A_283 = vector.shape_cast %swap3A_282 : vector<1x16xf32> to vector<16xf32>
    %swap3A_284 = vector.shape_cast %broadcast_in_dim3A_33 : vector<16xf32> to vector<1x16xf32>
    tpu.vector_store %arg6[%swap3A_280, %swap3A_281], %swap3A_284 {strides = array<i32>} : memref<8x128xf32, #tpu.memory_space<vmem>>, vector<1x16xf32>,
    %swap3A_285 = arith.constant 5 : i32
    %swap3A_286 = arith.index_cast %swap3A_285 : i32 to index
    %swap3A_287 = arith.constant 32 : index
    %swap3A_288 = tpu.vector_load %arg6[%swap3A_286, %swap3A_287] {strides = array<i32>} : memref<8x128xf32, #tpu.memory_space<vmem>>, vector<1x16xf32>,
    %swap3A_289 = vector.shape_cast %swap3A_288 : vector<1x16xf32> to vector<16xf32>
    %swap3A_290 = vector.shape_cast %broadcast_in_dim3A_33 : vector<16xf32> to vector<1x16xf32>
    tpu.vector_store %arg6[%swap3A_286, %swap3A_287], %swap3A_290 {strides = array<i32>} : memref<8x128xf32, #tpu.memory_space<vmem>>, vector<1x16xf32>,
    %swap3A_291 = arith.constant 5 : i32
    %swap3A_292 = arith.index_cast %swap3A_291 : i32 to index
    %swap3A_293 = arith.constant 48 : index
    %swap3A_294 = tpu.vector_load %arg6[%swap3A_292, %swap3A_293] {strides = array<i32>} : memref<8x128xf32, #tpu.memory_space<vmem>>, vector<1x16xf32>,
    %swap3A_295 = vector.shape_cast %swap3A_294 : vector<1x16xf32> to vector<16xf32>
    %swap3A_296 = vector.shape_cast %broadcast_in_dim3A_33 : vector<16xf32> to vector<1x16xf32>
    tpu.vector_store %arg6[%swap3A_292, %swap3A_293], %swap3A_296 {strides = array<i32>} : memref<8x128xf32, #tpu.memory_space<vmem>>, vector<1x16xf32>,
    %swap3A_297 = arith.constant 5 : i32
    %swap3A_298 = arith.index_cast %swap3A_297 : i32 to index
    %swap3A_299 = arith.constant 64 : index
    %swap3A_300 = tpu.vector_load %arg6[%swap3A_298, %swap3A_299] {strides = array<i32>} : memref<8x128xf32, #tpu.memory_space<vmem>>, vector<1x16xf32>,
    %swap3A_301 = vector.shape_cast %swap3A_300 : vector<1x16xf32> to vector<16xf32>
    %swap3A_302 = vector.shape_cast %broadcast_in_dim3A_33 : vector<16xf32> to vector<1x16xf32>
    tpu.vector_store %arg6[%swap3A_298, %swap3A_299], %swap3A_302 {strides = array<i32>} : memref<8x128xf32, #tpu.memory_space<vmem>>, vector<1x16xf32>,
    %swap3A_303 = arith.constant 5 : i32
    %swap3A_304 = arith.index_cast %swap3A_303 : i32 to index
    %swap3A_305 = arith.constant 80 : index
    %swap3A_306 = tpu.vector_load %arg6[%swap3A_304, %swap3A_305] {strides = array<i32>} : memref<8x128xf32, #tpu.memory_space<vmem>>, vector<1x16xf32>,
    %swap3A_307 = vector.shape_cast %swap3A_306 : vector<1x16xf32> to vector<16xf32>
    %swap3A_308 = vector.shape_cast %broadcast_in_dim3A_33 : vector<16xf32> to vector<1x16xf32>
    tpu.vector_store %arg6[%swap3A_304, %swap3A_305], %swap3A_308 {strides = array<i32>} : memref<8x128xf32, #tpu.memory_space<vmem>>, vector<1x16xf32>,
    %swap3A_309 = arith.constant 5 : i32
    %swap3A_310 = arith.index_cast %swap3A_309 : i32 to index
    %swap3A_311 = arith.constant 96 : index
    %swap3A_312 = tpu.vector_load %arg6[%swap3A_310, %swap3A_311] {strides = array<i32>} : memref<8x128xf32, #tpu.memory_space<vmem>>, vector<1x16xf32>,
    %swap3A_313 = vector.shape_cast %swap3A_312 : vector<1x16xf32> to vector<16xf32>
    %swap3A_314 = vector.shape_cast %broadcast_in_dim3A_33 : vector<16xf32> to vector<1x16xf32>
    tpu.vector_store %arg6[%swap3A_310, %swap3A_311], %swap3A_314 {strides = array<i32>} : memref<8x128xf32, #tpu.memory_space<vmem>>, vector<1x16xf32>,
    %swap3A_315 = arith.constant 5 : i32
    %swap3A_316 = arith.index_cast %swap3A_315 : i32 to index
    %swap3A_317 = arith.constant 112 : index
    %swap3A_318 = tpu.vector_load %arg6[%swap3A_316, %swap3A_317] {strides = array<i32>} : memref<8x128xf32, #tpu.memory_space<vmem>>, vector<1x16xf32>,
    %swap3A_319 = vector.shape_cast %swap3A_318 : vector<1x16xf32> to vector<16xf32>
    %swap3A_320 = vector.shape_cast %broadcast_in_dim3A_33 : vector<16xf32> to vector<1x16xf32>
    tpu.vector_store %arg6[%swap3A_316, %swap3A_317], %swap3A_320 {strides = array<i32>} : memref<8x128xf32, #tpu.memory_space<vmem>>, vector<1x16xf32>,
    %swap3A_321 = arith.constant 6 : i32
    %swap3A_322 = arith.index_cast %swap3A_321 : i32 to index
    %swap3A_323 = arith.constant 0 : index
    %swap3A_324 = tpu.vector_load %arg6[%swap3A_322, %swap3A_323] {strides = array<i32>} : memref<8x128xf32, #tpu.memory_space<vmem>>, vector<1x16xf32>,
    %swap3A_325 = vector.shape_cast %swap3A_324 : vector<1x16xf32> to vector<16xf32>
    %swap3A_326 = vector.shape_cast %broadcast_in_dim3A_33 : vector<16xf32> to vector<1x16xf32>
    tpu.vector_store %arg6[%swap3A_322, %swap3A_323], %swap3A_326 {strides = array<i32>} : memref<8x128xf32, #tpu.memory_space<vmem>>, vector<1x16xf32>,
    %swap3A_327 = arith.constant 6 : i32
    %swap3A_328 = arith.index_cast %swap3A_327 : i32 to index
    %swap3A_329 = arith.constant 16 : index
    %swap3A_330 = tpu.vector_load %arg6[%swap3A_328, %swap3A_329] {strides = array<i32>} : memref<8x128xf32, #tpu.memory_space<vmem>>, vector<1x16xf32>,
    %swap3A_331 = vector.shape_cast %swap3A_330 : vector<1x16xf32> to vector<16xf32>
    %swap3A_332 = vector.shape_cast %broadcast_in_dim3A_33 : vector<16xf32> to vector<1x16xf32>
    tpu.vector_store %arg6[%swap3A_328, %swap3A_329], %swap3A_332 {strides = array<i32>} : memref<8x128xf32, #tpu.memory_space<vmem>>, vector<1x16xf32>,
    %swap3A_333 = arith.constant 6 : i32
    %swap3A_334 = arith.index_cast %swap3A_333 : i32 to index
    %swap3A_335 = arith.constant 32 : index
    %swap3A_336 = tpu.vector_load %arg6[%swap3A_334, %swap3A_335] {strides = array<i32>} : memref<8x128xf32, #tpu.memory_space<vmem>>, vector<1x16xf32>,
    %swap3A_337 = vector.shape_cast %swap3A_336 : vector<1x16xf32> to vector<16xf32>
    %swap3A_338 = vector.shape_cast %broadcast_in_dim3A_33 : vector<16xf32> to vector<1x16xf32>
    tpu.vector_store %arg6[%swap3A_334, %swap3A_335], %swap3A_338 {strides = array<i32>} : memref<8x128xf32, #tpu.memory_space<vmem>>, vector<1x16xf32>,
    %swap3A_339 = arith.constant 6 : i32
    %swap3A_340 = arith.index_cast %swap3A_339 : i32 to index
    %swap3A_341 = arith.constant 48 : index
    %swap3A_342 = tpu.vector_load %arg6[%swap3A_340, %swap3A_341] {strides = array<i32>} : memref<8x128xf32, #tpu.memory_space<vmem>>, vector<1x16xf32>,
    %swap3A_343 = vector.shape_cast %swap3A_342 : vector<1x16xf32> to vector<16xf32>
    %swap3A_344 = vector.shape_cast %broadcast_in_dim3A_33 : vector<16xf32> to vector<1x16xf32>
    tpu.vector_store %arg6[%swap3A_340, %swap3A_341], %swap3A_344 {strides = array<i32>} : memref<8x128xf32, #tpu.memory_space<vmem>>, vector<1x16xf32>,
    %swap3A_345 = arith.constant 6 : i32
    %swap3A_346 = arith.index_cast %swap3A_345 : i32 to index
    %swap3A_347 = arith.constant 64 : index
    %swap3A_348 = tpu.vector_load %arg6[%swap3A_346, %swap3A_347] {strides = array<i32>} : memref<8x128xf32, #tpu.memory_space<vmem>>, vector<1x16xf32>,
    %swap3A_349 = vector.shape_cast %swap3A_348 : vector<1x16xf32> to vector<16xf32>
    %swap3A_350 = vector.shape_cast %broadcast_in_dim3A_33 : vector<16xf32> to vector<1x16xf32>
    tpu.vector_store %arg6[%swap3A_346, %swap3A_347], %swap3A_350 {strides = array<i32>} : memref<8x128xf32, #tpu.memory_space<vmem>>, vector<1x16xf32>,
    %swap3A_351 = arith.constant 6 : i32
    %swap3A_352 = arith.index_cast %swap3A_351 : i32 to index
    %swap3A_353 = arith.constant 80 : index
    %swap3A_354 = tpu.vector_load %arg6[%swap3A_352, %swap3A_353] {strides = array<i32>} : memref<8x128xf32, #tpu.memory_space<vmem>>, vector<1x16xf32>,
    %swap3A_355 = vector.shape_cast %swap3A_354 : vector<1x16xf32> to vector<16xf32>
    %swap3A_356 = vector.shape_cast %broadcast_in_dim3A_33 : vector<16xf32> to vector<1x16xf32>
    tpu.vector_store %arg6[%swap3A_352, %swap3A_353], %swap3A_356 {strides = array<i32>} : memref<8x128xf32, #tpu.memory_space<vmem>>, vector<1x16xf32>,
    %swap3A_357 = arith.constant 6 : i32
    %swap3A_358 = arith.index_cast %swap3A_357 : i32 to index
    %swap3A_359 = arith.constant 96 : index
    %swap3A_360 = tpu.vector_load %arg6[%swap3A_358, %swap3A_359] {strides = array<i32>} : memref<8x128xf32, #tpu.memory_space<vmem>>, vector<1x16xf32>,
    %swap3A_361 = vector.shape_cast %swap3A_360 : vector<1x16xf32> to vector<16xf32>
    %swap3A_362 = vector.shape_cast %broadcast_in_dim3A_33 : vector<16xf32> to vector<1x16xf32>
    tpu.vector_store %arg6[%swap3A_358, %swap3A_359], %swap3A_362 {strides = array<i32>} : memref<8x128xf32, #tpu.memory_space<vmem>>, vector<1x16xf32>,
    %swap3A_363 = arith.constant 6 : i32
    %swap3A_364 = arith.index_cast %swap3A_363 : i32 to index
    %swap3A_365 = arith.constant 112 : index
    %swap3A_366 = tpu.vector_load %arg6[%swap3A_364, %swap3A_365] {strides = array<i32>} : memref<8x128xf32, #tpu.memory_space<vmem>>, vector<1x16xf32>,
    %swap3A_367 = vector.shape_cast %swap3A_366 : vector<1x16xf32> to vector<16xf32>
    %swap3A_368 = vector.shape_cast %broadcast_in_dim3A_33 : vector<16xf32> to vector<1x16xf32>
    tpu.vector_store %arg6[%swap3A_364, %swap3A_365], %swap3A_368 {strides = array<i32>} : memref<8x128xf32, #tpu.memory_space<vmem>>, vector<1x16xf32>,
    %swap3A_369 = arith.constant 7 : i32
    %swap3A_370 = arith.index_cast %swap3A_369 : i32 to index
    %swap3A_371 = arith.constant 0 : index
    %swap3A_372 = tpu.vector_load %arg6[%swap3A_370, %swap3A_371] {strides = array<i32>} : memref<8x128xf32, #tpu.memory_space<vmem>>, vector<1x16xf32>,
    %swap3A_373 = vector.shape_cast %swap3A_372 : vector<1x16xf32> to vector<16xf32>
    %swap3A_374 = vector.shape_cast %broadcast_in_dim3A_33 : vector<16xf32> to vector<1x16xf32>
    tpu.vector_store %arg6[%swap3A_370, %swap3A_371], %swap3A_374 {strides = array<i32>} : memref<8x128xf32, #tpu.memory_space<vmem>>, vector<1x16xf32>,
    %swap3A_375 = arith.constant 7 : i32
    %swap3A_376 = arith.index_cast %swap3A_375 : i32 to index
    %swap3A_377 = arith.constant 16 : index
    %swap3A_378 = tpu.vector_load %arg6[%swap3A_376, %swap3A_377] {strides = array<i32>} : memref<8x128xf32, #tpu.memory_space<vmem>>, vector<1x16xf32>,
    %swap3A_379 = vector.shape_cast %swap3A_378 : vector<1x16xf32> to vector<16xf32>
    %swap3A_380 = vector.shape_cast %broadcast_in_dim3A_33 : vector<16xf32> to vector<1x16xf32>
    tpu.vector_store %arg6[%swap3A_376, %swap3A_377], %swap3A_380 {strides = array<i32>} : memref<8x128xf32, #tpu.memory_space<vmem>>, vector<1x16xf32>,
    %swap3A_381 = arith.constant 7 : i32
    %swap3A_382 = arith.index_cast %swap3A_381 : i32 to index
    %swap3A_383 = arith.constant 32 : index
    %swap3A_384 = tpu.vector_load %arg6[%swap3A_382, %swap3A_383] {strides = array<i32>} : memref<8x128xf32, #tpu.memory_space<vmem>>, vector<1x16xf32>,
    %swap3A_385 = vector.shape_cast %swap3A_384 : vector<1x16xf32> to vector<16xf32>
    %swap3A_386 = vector.shape_cast %broadcast_in_dim3A_33 : vector<16xf32> to vector<1x16xf32>
    tpu.vector_store %arg6[%swap3A_382, %swap3A_383], %swap3A_386 {strides = array<i32>} : memref<8x128xf32, #tpu.memory_space<vmem>>, vector<1x16xf32>,
    %swap3A_387 = arith.constant 7 : i32
    %swap3A_388 = arith.index_cast %swap3A_387 : i32 to index
    %swap3A_389 = arith.constant 48 : index
    %swap3A_390 = tpu.vector_load %arg6[%swap3A_388, %swap3A_389] {strides = array<i32>} : memref<8x128xf32, #tpu.memory_space<vmem>>, vector<1x16xf32>,
    %swap3A_391 = vector.shape_cast %swap3A_390 : vector<1x16xf32> to vector<16xf32>
    %swap3A_392 = vector.shape_cast %broadcast_in_dim3A_33 : vector<16xf32> to vector<1x16xf32>
    tpu.vector_store %arg6[%swap3A_388, %swap3A_389], %swap3A_392 {strides = array<i32>} : memref<8x128xf32, #tpu.memory_space<vmem>>, vector<1x16xf32>,
    %swap3A_393 = arith.constant 7 : i32
    %swap3A_394 = arith.index_cast %swap3A_393 : i32 to index
    %swap3A_395 = arith.constant 64 : index
    %swap3A_396 = tpu.vector_load %arg6[%swap3A_394, %swap3A_395] {strides = array<i32>} : memref<8x128xf32, #tpu.memory_space<vmem>>, vector<1x16xf32>,
    %swap3A_397 = vector.shape_cast %swap3A_396 : vector<1x16xf32> to vector<16xf32>
    %swap3A_398 = vector.shape_cast %broadcast_in_dim3A_33 : vector<16xf32> to vector<1x16xf32>
    tpu.vector_store %arg6[%swap3A_394, %swap3A_395], %swap3A_398 {strides = array<i32>} : memref<8x128xf32, #tpu.memory_space<vmem>>, vector<1x16xf32>,
    %swap3A_399 = arith.constant 7 : i32
    %swap3A_400 = arith.index_cast %swap3A_399 : i32 to index
    %swap3A_401 = arith.constant 80 : index
    %swap3A_402 = tpu.vector_load %arg6[%swap3A_400, %swap3A_401] {strides = array<i32>} : memref<8x128xf32, #tpu.memory_space<vmem>>, vector<1x16xf32>,
    %swap3A_403 = vector.shape_cast %swap3A_402 : vector<1x16xf32> to vector<16xf32>
    %swap3A_404 = vector.shape_cast %broadcast_in_dim3A_33 : vector<16xf32> to vector<1x16xf32>
    tpu.vector_store %arg6[%swap3A_400, %swap3A_401], %swap3A_404 {strides = array<i32>} : memref<8x128xf32, #tpu.memory_space<vmem>>, vector<1x16xf32>,
    %swap3A_405 = arith.constant 7 : i32
    %swap3A_406 = arith.index_cast %swap3A_405 : i32 to index
    %swap3A_407 = arith.constant 96 : index
    %swap3A_408 = tpu.vector_load %arg6[%swap3A_406, %swap3A_407] {strides = array<i32>} : memref<8x128xf32, #tpu.memory_space<vmem>>, vector<1x16xf32>,
    %swap3A_409 = vector.shape_cast %swap3A_408 : vector<1x16xf32> to vector<16xf32>
    %swap3A_410 = vector.shape_cast %broadcast_in_dim3A_33 : vector<16xf32> to vector<1x16xf32>
    tpu.vector_store %arg6[%swap3A_406, %swap3A_407], %swap3A_410 {strides = array<i32>} : memref<8x128xf32, #tpu.memory_space<vmem>>, vector<1x16xf32>,
    %swap3A_411 = arith.constant 7 : i32
    %swap3A_412 = arith.index_cast %swap3A_411 : i32 to index
    %swap3A_413 = arith.constant 112 : index
    %swap3A_414 = tpu.vector_load %arg6[%swap3A_412, %swap3A_413] {strides = array<i32>} : memref<8x128xf32, #tpu.memory_space<vmem>>, vector<1x16xf32>,
    %swap3A_415 = vector.shape_cast %swap3A_414 : vector<1x16xf32> to vector<16xf32>
    %swap3A_416 = vector.shape_cast %broadcast_in_dim3A_33 : vector<16xf32> to vector<1x16xf32>
    tpu.vector_store %arg6[%swap3A_412, %swap3A_413], %swap3A_416 {strides = array<i32>} : memref<8x128xf32, #tpu.memory_space<vmem>>, vector<1x16xf32>,
    %dma_start3A = arith.constant 0 : i32
    %dma_start3A_417 = tpu.memref_slice %arg2[%select_n3A, %dma_start3A, %mul3A_32] : memref<4x8192x1024xf32, #tpu.memory_space<hbm>> -> memref<1x256x128xf32, #tpu.memory_space<hbm>>
    %dma_start3A_418 = tpu.memref_squeeze %dma_start3A_417 : memref<1x256x128xf32, #tpu.memory_space<hbm>> -> memref<256x128xf32, #tpu.memory_space<hbm>>
    %dma_start3A_419 = arith.constant 0 : i32
    %dma_start3A_420 = tpu.memref_slice %arg2[%select_n3A, %dma_start3A_419, %mul3A_32] : memref<4x8192x1024xf32, #tpu.memory_space<hbm>> -> memref<1x256x128xf32, #tpu.memory_space<hbm>>
    %dma_start3A_421 = tpu.memref_squeeze %dma_start3A_420 : memref<1x256x128xf32, #tpu.memory_space<hbm>> -> memref<256x128xf32, #tpu.memory_space<hbm>>
    tpu.enqueue_dma source(%dma_start3A_421 : memref<256x128xf32, #tpu.memory_space<hbm>>) target(%arg4 : memref<256x128xf32, #tpu.memory_space<vmem>>) target_semaphore(%arg7 : memref<!tpu.dma_semaphore, #tpu.memory_space<semaphore_mem>>)
    %scan3A = arith.constant 0 : i32
    %scan3A_422 = arith.constant 0 : i32
    %scan3A_423 = arith.constant 16 : i32
    %scan3A_424 = arith.addi %scan3A_422, %scan3A_423 : i32
    %scan3A_425 = arith.constant 1 : i32
    %scan3A_426 = scf.for %scan3A_428 = %scan3A_422 to %scan3A_424 step %scan3A_425 iter_args(%scan3A_429 = %scan3A) -> (i32)  : i32 {
      %mul3A_430 = arith.constant 2 : i32
      %mul3A_431 = arith.muli %scan3A_428, %mul3A_430 : i32
      %mul3A_432 = arith.constant 256 : i32
      %mul3A_433 = arith.muli %mul3A_431, %mul3A_432 : i32
      %dma_wait3A = tpu.memref_slice %arg2[%select_n3A, %mul3A_433, %mul3A_32] : memref<4x8192x1024xf32, #tpu.memory_space<hbm>> -> memref<1x256x128xf32, #tpu.memory_space<hbm>>
      %dma_wait3A_434 = tpu.memref_squeeze %dma_wait3A : memref<1x256x128xf32, #tpu.memory_space<hbm>> -> memref<256x128xf32, #tpu.memory_space<hbm>>
      %dma_wait3A_435 = tpu.memref_slice %arg2[%select_n3A, %mul3A_433, %mul3A_32] : memref<4x8192x1024xf32, #tpu.memory_space<hbm>> -> memref<1x256x128xf32, #tpu.memory_space<hbm>>
      %dma_wait3A_436 = tpu.memref_squeeze %dma_wait3A_435 : memref<1x256x128xf32, #tpu.memory_space<hbm>> -> memref<256x128xf32, #tpu.memory_space<hbm>>
      tpu.wait_dma2 semaphore(%arg7 : memref<!tpu.dma_semaphore, #tpu.memory_space<semaphore_mem>>) src(%dma_wait3A_436 : memref<256x128xf32, #tpu.memory_space<hbm>>) dst(%arg4 : memref<256x128xf32, #tpu.memory_space<vmem>>)
      %add3A_437 = arith.constant 1 : i32
      %add3A_438 = arith.addi %mul3A_431, %add3A_437 : i32
      %lt3A_439 = arith.constant 32 : i32
      %lt3A_440 = arith.cmpi slt, %add3A_438, %lt3A_439 : i32
      %convert_element_type3A = arith.extui %lt3A_440 : i1 to i32
      %cond3A = arith.constant 0 : i32
      %cond3A_441 = arith.cmpi ne, %convert_element_type3A, %cond3A : i32
      scf.if %cond3A_441 {
        %add3A_474 = arith.constant 1 : i32
        %add3A_475 = arith.addi %mul3A_431, %add3A_474 : i32
        %mul3A_476 = arith.constant 256 : i32
        %mul3A_477 = arith.muli %add3A_475, %mul3A_476 : i32
        %dma_start3A_478 = tpu.memref_slice %arg2[%select_n3A, %mul3A_477, %mul3A_32] : memref<4x8192x1024xf32, #tpu.memory_space<hbm>> -> memref<1x256x128xf32, #tpu.memory_space<hbm>>
        %dma_start3A_479 = tpu.memref_squeeze %dma_start3A_478 : memref<1x256x128xf32, #tpu.memory_space<hbm>> -> memref<256x128xf32, #tpu.memory_space<hbm>>
        %dma_start3A_480 = tpu.memref_slice %arg2[%select_n3A, %mul3A_477, %mul3A_32] : memref<4x8192x1024xf32, #tpu.memory_space<hbm>> -> memref<1x256x128xf32, #tpu.memory_space<hbm>>
        %dma_start3A_481 = tpu.memref_squeeze %dma_start3A_480 : memref<1x256x128xf32, #tpu.memory_space<hbm>> -> memref<256x128xf32, #tpu.memory_space<hbm>>
        tpu.enqueue_dma source(%dma_start3A_481 : memref<256x128xf32, #tpu.memory_space<hbm>>) target(%arg5 : memref<256x128xf32, #tpu.memory_space<vmem>>) target_semaphore(%arg8 : memref<!tpu.dma_semaphore, #tpu.memory_space<semaphore_mem>>)
      } else {
      }
      %scan3A_442 = arith.constant 0 : i32
      %scan3A_443 = arith.constant 0 : i32
      %scan3A_444 = arith.constant 8 : i32
      %scan3A_445 = arith.addi %scan3A_443, %scan3A_444 : i32
      %scan3A_446 = arith.constant 1 : i32
      %scan3A_447 = scf.for %scan3A_474 = %scan3A_443 to %scan3A_445 step %scan3A_446 iter_args(%scan3A_475 = %scan3A_442) -> (i32)  : i32 {
        %mul3A_476 = arith.constant 16 : i32
        %mul3A_477 = arith.muli %scan3A_474, %mul3A_476 : i32
        %multiple_of3A = tpu.assume_multiple %mul3A_477, 16 : i32
        %get3A = arith.constant 0 : i32
        %get3A_478 = arith.index_cast %get3A : i32 to index
        %get3A_479 = arith.index_cast %multiple_of3A : i32 to index
        %get3A_480 = tpu.vector_load %arg6[%get3A_478, %get3A_479] {strides = array<i32>} : memref<8x128xf32, #tpu.memory_space<vmem>>, vector<1x16xf32>,
        %get3A_481 = vector.shape_cast %get3A_480 : vector<1x16xf32> to vector<16xf32>
        %get3A_482 = arith.constant 1 : i32
        %get3A_483 = arith.index_cast %get3A_482 : i32 to index
        %get3A_484 = arith.index_cast %multiple_of3A : i32 to index
        %get3A_485 = tpu.vector_load %arg6[%get3A_483, %get3A_484] {strides = array<i32>} : memref<8x128xf32, #tpu.memory_space<vmem>>, vector<1x16xf32>,
        %get3A_486 = vector.shape_cast %get3A_485 : vector<1x16xf32> to vector<16xf32>
        %get3A_487 = arith.constant 2 : i32
        %get3A_488 = arith.index_cast %get3A_487 : i32 to index
        %get3A_489 = arith.index_cast %multiple_of3A : i32 to index
        %get3A_490 = tpu.vector_load %arg6[%get3A_488, %get3A_489] {strides = array<i32>} : memref<8x128xf32, #tpu.memory_space<vmem>>, vector<1x16xf32>,
        %get3A_491 = vector.shape_cast %get3A_490 : vector<1x16xf32> to vector<16xf32>
        %get3A_492 = arith.constant 3 : i32
        %get3A_493 = arith.index_cast %get3A_492 : i32 to index
        %get3A_494 = arith.index_cast %multiple_of3A : i32 to index
        %get3A_495 = tpu.vector_load %arg6[%get3A_493, %get3A_494] {strides = array<i32>} : memref<8x128xf32, #tpu.memory_space<vmem>>, vector<1x16xf32>,
        %get3A_496 = vector.shape_cast %get3A_495 : vector<1x16xf32> to vector<16xf32>
        %get3A_497 = arith.constant 4 : i32
        %get3A_498 = arith.index_cast %get3A_497 : i32 to index
        %get3A_499 = arith.index_cast %multiple_of3A : i32 to index
        %get3A_500 = tpu.vector_load %arg6[%get3A_498, %get3A_499] {strides = array<i32>} : memref<8x128xf32, #tpu.memory_space<vmem>>, vector<1x16xf32>,
        %get3A_501 = vector.shape_cast %get3A_500 : vector<1x16xf32> to vector<16xf32>
        %get3A_502 = arith.constant 5 : i32
        %get3A_503 = arith.index_cast %get3A_502 : i32 to index
        %get3A_504 = arith.index_cast %multiple_of3A : i32 to index
        %get3A_505 = tpu.vector_load %arg6[%get3A_503, %get3A_504] {strides = array<i32>} : memref<8x128xf32, #tpu.memory_space<vmem>>, vector<1x16xf32>,
        %get3A_506 = vector.shape_cast %get3A_505 : vector<1x16xf32> to vector<16xf32>
        %get3A_507 = arith.constant 6 : i32
        %get3A_508 = arith.index_cast %get3A_507 : i32 to index
        %get3A_509 = arith.index_cast %multiple_of3A : i32 to index
        %get3A_510 = tpu.vector_load %arg6[%get3A_508, %get3A_509] {strides = array<i32>} : memref<8x128xf32, #tpu.memory_space<vmem>>, vector<1x16xf32>,
        %get3A_511 = vector.shape_cast %get3A_510 : vector<1x16xf32> to vector<16xf32>
        %get3A_512 = arith.constant 7 : i32
        %get3A_513 = arith.index_cast %get3A_512 : i32 to index
        %get3A_514 = arith.index_cast %multiple_of3A : i32 to index
        %get3A_515 = tpu.vector_load %arg6[%get3A_513, %get3A_514] {strides = array<i32>} : memref<8x128xf32, #tpu.memory_space<vmem>>, vector<1x16xf32>,
        %get3A_516 = vector.shape_cast %get3A_515 : vector<1x16xf32> to vector<16xf32>
        %scan3A_517 = arith.constant 0 : i32
        %scan3A_518 = arith.constant 32 : i32
        %scan3A_519 = arith.addi %scan3A_517, %scan3A_518 : i32
        %scan3A_520 = arith.constant 2 : i32
        %scan3A_521:8 = scf.for %scan3A_572 = %scan3A_517 to %scan3A_519 step %scan3A_520 iter_args(%scan3A_573 = %get3A_481, %scan3A_574 = %get3A_486, %scan3A_575 = %get3A_491, %scan3A_576 = %get3A_496, %scan3A_577 = %get3A_501, %scan3A_578 = %get3A_506, %scan3A_579 = %get3A_511, %scan3A_580 = %get3A_516) -> (vector<16xf32>, vector<16xf32>, vector<16xf32>, vector<16xf32>, vector<16xf32>, vector<16xf32>, vector<16xf32>, vector<16xf32>)  : i32 {
          %mul3A_581 = arith.constant 8 : i32
          %mul3A_582 = arith.muli %scan3A_572, %mul3A_581 : i32
          %add3A_583 = arith.constant 0 : i32
          %add3A_584 = arith.addi %mul3A_582, %add3A_583 : i32
          %get3A_585 = arith.index_cast %add3A_584 : i32 to index
          %get3A_586 = arith.index_cast %multiple_of3A : i32 to index
          %get3A_587 = tpu.vector_load %arg4[%get3A_585, %get3A_586] {strides = array<i32>} : memref<256x128xf32, #tpu.memory_space<vmem>>, vector<1x16xf32>,
          %get3A_588 = vector.shape_cast %get3A_587 : vector<1x16xf32> to vector<16xf32>
          %mul3A_589 = arith.constant 8 : i32
          %mul3A_590 = arith.muli %scan3A_572, %mul3A_589 : i32
          %add3A_591 = arith.constant 1 : i32
          %add3A_592 = arith.addi %mul3A_590, %add3A_591 : i32
          %get3A_593 = arith.index_cast %add3A_592 : i32 to index
          %get3A_594 = arith.index_cast %multiple_of3A : i32 to index
          %get3A_595 = tpu.vector_load %arg4[%get3A_593, %get3A_594] {strides = array<i32>} : memref<256x128xf32, #tpu.memory_space<vmem>>, vector<1x16xf32>,
          %get3A_596 = vector.shape_cast %get3A_595 : vector<1x16xf32> to vector<16xf32>
          %mul3A_597 = arith.constant 8 : i32
          %mul3A_598 = arith.muli %scan3A_572, %mul3A_597 : i32
          %add3A_599 = arith.constant 2 : i32
          %add3A_600 = arith.addi %mul3A_598, %add3A_599 : i32
          %get3A_601 = arith.index_cast %add3A_600 : i32 to index
          %get3A_602 = arith.index_cast %multiple_of3A : i32 to index
          %get3A_603 = tpu.vector_load %arg4[%get3A_601, %get3A_602] {strides = array<i32>} : memref<256x128xf32, #tpu.memory_space<vmem>>, vector<1x16xf32>,
          %get3A_604 = vector.shape_cast %get3A_603 : vector<1x16xf32> to vector<16xf32>
          %mul3A_605 = arith.constant 8 : i32
          %mul3A_606 = arith.muli %scan3A_572, %mul3A_605 : i32
          %add3A_607 = arith.constant 3 : i32
          %add3A_608 = arith.addi %mul3A_606, %add3A_607 : i32
          %get3A_609 = arith.index_cast %add3A_608 : i32 to index
          %get3A_610 = arith.index_cast %multiple_of3A : i32 to index
          %get3A_611 = tpu.vector_load %arg4[%get3A_609, %get3A_610] {strides = array<i32>} : memref<256x128xf32, #tpu.memory_space<vmem>>, vector<1x16xf32>,
          %get3A_612 = vector.shape_cast %get3A_611 : vector<1x16xf32> to vector<16xf32>
          %mul3A_613 = arith.constant 8 : i32
          %mul3A_614 = arith.muli %scan3A_572, %mul3A_613 : i32
          %add3A_615 = arith.constant 4 : i32
          %add3A_616 = arith.addi %mul3A_614, %add3A_615 : i32
          %get3A_617 = arith.index_cast %add3A_616 : i32 to index
          %get3A_618 = arith.index_cast %multiple_of3A : i32 to index
          %get3A_619 = tpu.vector_load %arg4[%get3A_617, %get3A_618] {strides = array<i32>} : memref<256x128xf32, #tpu.memory_space<vmem>>, vector<1x16xf32>,
          %get3A_620 = vector.shape_cast %get3A_619 : vector<1x16xf32> to vector<16xf32>
          %mul3A_621 = arith.constant 8 : i32
          %mul3A_622 = arith.muli %scan3A_572, %mul3A_621 : i32
          %add3A_623 = arith.constant 5 : i32
          %add3A_624 = arith.addi %mul3A_622, %add3A_623 : i32
          %get3A_625 = arith.index_cast %add3A_624 : i32 to index
          %get3A_626 = arith.index_cast %multiple_of3A : i32 to index
          %get3A_627 = tpu.vector_load %arg4[%get3A_625, %get3A_626] {strides = array<i32>} : memref<256x128xf32, #tpu.memory_space<vmem>>, vector<1x16xf32>,
          %get3A_628 = vector.shape_cast %get3A_627 : vector<1x16xf32> to vector<16xf32>
          %mul3A_629 = arith.constant 8 : i32
          %mul3A_630 = arith.muli %scan3A_572, %mul3A_629 : i32
          %add3A_631 = arith.constant 6 : i32
          %add3A_632 = arith.addi %mul3A_630, %add3A_631 : i32
          %get3A_633 = arith.index_cast %add3A_632 : i32 to index
          %get3A_634 = arith.index_cast %multiple_of3A : i32 to index
          %get3A_635 = tpu.vector_load %arg4[%get3A_633, %get3A_634] {strides = array<i32>} : memref<256x128xf32, #tpu.memory_space<vmem>>, vector<1x16xf32>,
          %get3A_636 = vector.shape_cast %get3A_635 : vector<1x16xf32> to vector<16xf32>
          %mul3A_637 = arith.constant 8 : i32
          %mul3A_638 = arith.muli %scan3A_572, %mul3A_637 : i32
          %add3A_639 = arith.constant 7 : i32
          %add3A_640 = arith.addi %mul3A_638, %add3A_639 : i32
          %get3A_641 = arith.index_cast %add3A_640 : i32 to index
          %get3A_642 = arith.index_cast %multiple_of3A : i32 to index
          %get3A_643 = tpu.vector_load %arg4[%get3A_641, %get3A_642] {strides = array<i32>} : memref<256x128xf32, #tpu.memory_space<vmem>>, vector<1x16xf32>,
          %get3A_644 = vector.shape_cast %get3A_643 : vector<1x16xf32> to vector<16xf32>
          %max3A = arith.maximumf %get3A_588, %get3A_596 : vector<16xf32>
          %min3A = arith.minimumf %get3A_588, %get3A_596 : vector<16xf32>
          %max3A_645 = arith.maximumf %get3A_604, %get3A_612 : vector<16xf32>
          %min3A_646 = arith.minimumf %get3A_604, %get3A_612 : vector<16xf32>
          %max3A_647 = arith.maximumf %get3A_620, %get3A_628 : vector<16xf32>
          %min3A_648 = arith.minimumf %get3A_620, %get3A_628 : vector<16xf32>
          %max3A_649 = arith.maximumf %get3A_636, %get3A_644 : vector<16xf32>
          %min3A_650 = arith.minimumf %get3A_636, %get3A_644 : vector<16xf32>
          %max3A_651 = arith.maximumf %max3A, %max3A_645 : vector<16xf32>
          %min3A_652 = arith.minimumf %max3A, %max3A_645 : vector<16xf32>
          %max3A_653 = arith.maximumf %min3A, %min3A_646 : vector<16xf32>
          %min3A_654 = arith.minimumf %min3A, %min3A_646 : vector<16xf32>
          %max3A_655 = arith.maximumf %max3A_647, %max3A_649 : vector<16xf32>
          %min3A_656 = arith.minimumf %max3A_647, %max3A_649 : vector<16xf32>
          %max3A_657 = arith.maximumf %min3A_648, %min3A_650 : vector<16xf32>
          %min3A_658 = arith.minimumf %min3A_648, %min3A_650 : vector<16xf32>
          %max3A_659 = arith.maximumf %max3A_653, %min3A_652 : vector<16xf32>
          %min3A_660 = arith.minimumf %max3A_653, %min3A_652 : vector<16xf32>
          %max3A_661 = arith.maximumf %max3A_657, %min3A_656 : vector<16xf32>
          %min3A_662 = arith.minimumf %max3A_657, %min3A_656 : vector<16xf32>
          %max3A_663 = arith.maximumf %max3A_651, %max3A_655 : vector<16xf32>
          %min3A_664 = arith.minimumf %max3A_651, %max3A_655 : vector<16xf32>
          %max3A_665 = arith.maximumf %max3A_659, %max3A_661 : vector<16xf32>
          %min3A_666 = arith.minimumf %max3A_659, %max3A_661 : vector<16xf32>
          %max3A_667 = arith.maximumf %min3A_660, %min3A_662 : vector<16xf32>
          %min3A_668 = arith.minimumf %min3A_660, %min3A_662 : vector<16xf32>
          %max3A_669 = arith.maximumf %min3A_654, %min3A_658 : vector<16xf32>
          %min3A_670 = arith.minimumf %min3A_654, %min3A_658 : vector<16xf32>
          %max3A_671 = arith.maximumf %max3A_667, %min3A_664 : vector<16xf32>
          %min3A_672 = arith.minimumf %max3A_667, %min3A_664 : vector<16xf32>
          %max3A_673 = arith.maximumf %max3A_669, %min3A_666 : vector<16xf32>
          %min3A_674 = arith.minimumf %max3A_669, %min3A_666 : vector<16xf32>
          %max3A_675 = arith.maximumf %max3A_665, %max3A_671 : vector<16xf32>
          %min3A_676 = arith.minimumf %max3A_665, %max3A_671 : vector<16xf32>
          %max3A_677 = arith.maximumf %max3A_673, %min3A_672 : vector<16xf32>
          %min3A_678 = arith.minimumf %max3A_673, %min3A_672 : vector<16xf32>
          %max3A_679 = arith.maximumf %min3A_674, %min3A_668 : vector<16xf32>
          %min3A_680 = arith.minimumf %min3A_674, %min3A_668 : vector<16xf32>
          %max3A_681 = arith.maximumf %scan3A_573, %min3A_670 : vector<16xf32>
          %max3A_682 = arith.maximumf %scan3A_574, %min3A_680 : vector<16xf32>
          %max3A_683 = arith.maximumf %scan3A_575, %max3A_679 : vector<16xf32>
          %max3A_684 = arith.maximumf %scan3A_576, %min3A_678 : vector<16xf32>
          %max3A_685 = arith.maximumf %scan3A_577, %max3A_677 : vector<16xf32>
          %max3A_686 = arith.maximumf %scan3A_578, %min3A_676 : vector<16xf32>
          %max3A_687 = arith.maximumf %scan3A_579, %max3A_675 : vector<16xf32>
          %max3A_688 = arith.maximumf %scan3A_580, %max3A_663 : vector<16xf32>
          %max3A_689 = arith.maximumf %max3A_681, %max3A_685 : vector<16xf32>
          %min3A_690 = arith.minimumf %max3A_681, %max3A_685 : vector<16xf32>
          %max3A_691 = arith.maximumf %max3A_682, %max3A_686 : vector<16xf32>
          %min3A_692 = arith.minimumf %max3A_682, %max3A_686 : vector<16xf32>
          %max3A_693 = arith.maximumf %max3A_683, %max3A_687 : vector<16xf32>
          %min3A_694 = arith.minimumf %max3A_683, %max3A_687 : vector<16xf32>
          %max3A_695 = arith.maximumf %max3A_684, %max3A_688 : vector<16xf32>
          %min3A_696 = arith.minimumf %max3A_684, %max3A_688 : vector<16xf32>
          %max3A_697 = arith.maximumf %max3A_689, %max3A_693 : vector<16xf32>
          %min3A_698 = arith.minimumf %max3A_689, %max3A_693 : vector<16xf32>
          %max3A_699 = arith.maximumf %max3A_691, %max3A_695 : vector<16xf32>
          %min3A_700 = arith.minimumf %max3A_691, %max3A_695 : vector<16xf32>
          %max3A_701 = arith.maximumf %min3A_690, %min3A_694 : vector<16xf32>
          %min3A_702 = arith.minimumf %min3A_690, %min3A_694 : vector<16xf32>
          %max3A_703 = arith.maximumf %min3A_692, %min3A_696 : vector<16xf32>
          %min3A_704 = arith.minimumf %min3A_692, %min3A_696 : vector<16xf32>
          %max3A_705 = arith.maximumf %max3A_697, %max3A_699 : vector<16xf32>
          %min3A_706 = arith.minimumf %max3A_697, %max3A_699 : vector<16xf32>
          %max3A_707 = arith.maximumf %min3A_698, %min3A_700 : vector<16xf32>
          %min3A_708 = arith.minimumf %min3A_698, %min3A_700 : vector<16xf32>
          %max3A_709 = arith.maximumf %max3A_701, %max3A_703 : vector<16xf32>
          %min3A_710 = arith.minimumf %max3A_701, %max3A_703 : vector<16xf32>
          %max3A_711 = arith.maximumf %min3A_702, %min3A_704 : vector<16xf32>
          %min3A_712 = arith.minimumf %min3A_702, %min3A_704 : vector<16xf32>
          %scan3A_713 = arith.constant 1 : i32
          %scan3A_714 = arith.addi %scan3A_572, %scan3A_713 : i32
          %mul3A_715 = arith.constant 8 : i32
          %mul3A_716 = arith.muli %scan3A_714, %mul3A_715 : i32
          %add3A_717 = arith.constant 0 : i32
          %add3A_718 = arith.addi %mul3A_716, %add3A_717 : i32
          %get3A_719 = arith.index_cast %add3A_718 : i32 to index
          %get3A_720 = arith.index_cast %multiple_of3A : i32 to index
          %get3A_721 = tpu.vector_load %arg4[%get3A_719, %get3A_720] {strides = array<i32>} : memref<256x128xf32, #tpu.memory_space<vmem>>, vector<1x16xf32>,
          %get3A_722 = vector.shape_cast %get3A_721 : vector<1x16xf32> to vector<16xf32>
          %mul3A_723 = arith.constant 8 : i32
          %mul3A_724 = arith.muli %scan3A_714, %mul3A_723 : i32
          %add3A_725 = arith.constant 1 : i32
          %add3A_726 = arith.addi %mul3A_724, %add3A_725 : i32
          %get3A_727 = arith.index_cast %add3A_726 : i32 to index
          %get3A_728 = arith.index_cast %multiple_of3A : i32 to index
          %get3A_729 = tpu.vector_load %arg4[%get3A_727, %get3A_728] {strides = array<i32>} : memref<256x128xf32, #tpu.memory_space<vmem>>, vector<1x16xf32>,
          %get3A_730 = vector.shape_cast %get3A_729 : vector<1x16xf32> to vector<16xf32>
          %mul3A_731 = arith.constant 8 : i32
          %mul3A_732 = arith.muli %scan3A_714, %mul3A_731 : i32
          %add3A_733 = arith.constant 2 : i32
          %add3A_734 = arith.addi %mul3A_732, %add3A_733 : i32
          %get3A_735 = arith.index_cast %add3A_734 : i32 to index
          %get3A_736 = arith.index_cast %multiple_of3A : i32 to index
          %get3A_737 = tpu.vector_load %arg4[%get3A_735, %get3A_736] {strides = array<i32>} : memref<256x128xf32, #tpu.memory_space<vmem>>, vector<1x16xf32>,
          %get3A_738 = vector.shape_cast %get3A_737 : vector<1x16xf32> to vector<16xf32>
          %mul3A_739 = arith.constant 8 : i32
          %mul3A_740 = arith.muli %scan3A_714, %mul3A_739 : i32
          %add3A_741 = arith.constant 3 : i32
          %add3A_742 = arith.addi %mul3A_740, %add3A_741 : i32
          %get3A_743 = arith.index_cast %add3A_742 : i32 to index
          %get3A_744 = arith.index_cast %multiple_of3A : i32 to index
          %get3A_745 = tpu.vector_load %arg4[%get3A_743, %get3A_744] {strides = array<i32>} : memref<256x128xf32, #tpu.memory_space<vmem>>, vector<1x16xf32>,
          %get3A_746 = vector.shape_cast %get3A_745 : vector<1x16xf32> to vector<16xf32>
          %mul3A_747 = arith.constant 8 : i32
          %mul3A_748 = arith.muli %scan3A_714, %mul3A_747 : i32
          %add3A_749 = arith.constant 4 : i32
          %add3A_750 = arith.addi %mul3A_748, %add3A_749 : i32
          %get3A_751 = arith.index_cast %add3A_750 : i32 to index
          %get3A_752 = arith.index_cast %multiple_of3A : i32 to index
          %get3A_753 = tpu.vector_load %arg4[%get3A_751, %get3A_752] {strides = array<i32>} : memref<256x128xf32, #tpu.memory_space<vmem>>, vector<1x16xf32>,
          %get3A_754 = vector.shape_cast %get3A_753 : vector<1x16xf32> to vector<16xf32>
          %mul3A_755 = arith.constant 8 : i32
          %mul3A_756 = arith.muli %scan3A_714, %mul3A_755 : i32
          %add3A_757 = arith.constant 5 : i32
          %add3A_758 = arith.addi %mul3A_756, %add3A_757 : i32
          %get3A_759 = arith.index_cast %add3A_758 : i32 to index
          %get3A_760 = arith.index_cast %multiple_of3A : i32 to index
          %get3A_761 = tpu.vector_load %arg4[%get3A_759, %get3A_760] {strides = array<i32>} : memref<256x128xf32, #tpu.memory_space<vmem>>, vector<1x16xf32>,
          %get3A_762 = vector.shape_cast %get3A_761 : vector<1x16xf32> to vector<16xf32>
          %mul3A_763 = arith.constant 8 : i32
          %mul3A_764 = arith.muli %scan3A_714, %mul3A_763 : i32
          %add3A_765 = arith.constant 6 : i32
          %add3A_766 = arith.addi %mul3A_764, %add3A_765 : i32
          %get3A_767 = arith.index_cast %add3A_766 : i32 to index
          %get3A_768 = arith.index_cast %multiple_of3A : i32 to index
          %get3A_769 = tpu.vector_load %arg4[%get3A_767, %get3A_768] {strides = array<i32>} : memref<256x128xf32, #tpu.memory_space<vmem>>, vector<1x16xf32>,
          %get3A_770 = vector.shape_cast %get3A_769 : vector<1x16xf32> to vector<16xf32>
          %mul3A_771 = arith.constant 8 : i32
          %mul3A_772 = arith.muli %scan3A_714, %mul3A_771 : i32
          %add3A_773 = arith.constant 7 : i32
          %add3A_774 = arith.addi %mul3A_772, %add3A_773 : i32
          %get3A_775 = arith.index_cast %add3A_774 : i32 to index
          %get3A_776 = arith.index_cast %multiple_of3A : i32 to index
          %get3A_777 = tpu.vector_load %arg4[%get3A_775, %get3A_776] {strides = array<i32>} : memref<256x128xf32, #tpu.memory_space<vmem>>, vector<1x16xf32>,
          %get3A_778 = vector.shape_cast %get3A_777 : vector<1x16xf32> to vector<16xf32>
          %max3A_779 = arith.maximumf %get3A_722, %get3A_730 : vector<16xf32>
          %min3A_780 = arith.minimumf %get3A_722, %get3A_730 : vector<16xf32>
          %max3A_781 = arith.maximumf %get3A_738, %get3A_746 : vector<16xf32>
          %min3A_782 = arith.minimumf %get3A_738, %get3A_746 : vector<16xf32>
          %max3A_783 = arith.maximumf %get3A_754, %get3A_762 : vector<16xf32>
          %min3A_784 = arith.minimumf %get3A_754, %get3A_762 : vector<16xf32>
          %max3A_785 = arith.maximumf %get3A_770, %get3A_778 : vector<16xf32>
          %min3A_786 = arith.minimumf %get3A_770, %get3A_778 : vector<16xf32>
          %max3A_787 = arith.maximumf %max3A_779, %max3A_781 : vector<16xf32>
          %min3A_788 = arith.minimumf %max3A_779, %max3A_781 : vector<16xf32>
          %max3A_789 = arith.maximumf %min3A_780, %min3A_782 : vector<16xf32>
          %min3A_790 = arith.minimumf %min3A_780, %min3A_782 : vector<16xf32>
          %max3A_791 = arith.maximumf %max3A_783, %max3A_785 : vector<16xf32>
          %min3A_792 = arith.minimumf %max3A_783, %max3A_785 : vector<16xf32>
          %max3A_793 = arith.maximumf %min3A_784, %min3A_786 : vector<16xf32>
          %min3A_794 = arith.minimumf %min3A_784, %min3A_786 : vector<16xf32>
          %max3A_795 = arith.maximumf %max3A_789, %min3A_788 : vector<16xf32>
          %min3A_796 = arith.minimumf %max3A_789, %min3A_788 : vector<16xf32>
          %max3A_797 = arith.maximumf %max3A_793, %min3A_792 : vector<16xf32>
          %min3A_798 = arith.minimumf %max3A_793, %min3A_792 : vector<16xf32>
          %max3A_799 = arith.maximumf %max3A_787, %max3A_791 : vector<16xf32>
          %min3A_800 = arith.minimumf %max3A_787, %max3A_791 : vector<16xf32>
          %max3A_801 = arith.maximumf %max3A_795, %max3A_797 : vector<16xf32>
          %min3A_802 = arith.minimumf %max3A_795, %max3A_797 : vector<16xf32>
          %max3A_803 = arith.maximumf %min3A_796, %min3A_798 : vector<16xf32>
          %min3A_804 = arith.minimumf %min3A_796, %min3A_798 : vector<16xf32>
          %max3A_805 = arith.maximumf %min3A_790, %min3A_794 : vector<16xf32>
          %min3A_806 = arith.minimumf %min3A_790, %min3A_794 : vector<16xf32>
          %max3A_807 = arith.maximumf %max3A_803, %min3A_800 : vector<16xf32>
          %min3A_808 = arith.minimumf %max3A_803, %min3A_800 : vector<16xf32>
          %max3A_809 = arith.maximumf %max3A_805, %min3A_802 : vector<16xf32>
          %min3A_810 = arith.minimumf %max3A_805, %min3A_802 : vector<16xf32>
          %max3A_811 = arith.maximumf %max3A_801, %max3A_807 : vector<16xf32>
          %min3A_812 = arith.minimumf %max3A_801, %max3A_807 : vector<16xf32>
          %max3A_813 = arith.maximumf %max3A_809, %min3A_808 : vector<16xf32>
          %min3A_814 = arith.minimumf %max3A_809, %min3A_808 : vector<16xf32>
          %max3A_815 = arith.maximumf %min3A_810, %min3A_804 : vector<16xf32>
          %min3A_816 = arith.minimumf %min3A_810, %min3A_804 : vector<16xf32>
          %max3A_817 = arith.maximumf %max3A_705, %min3A_806 : vector<16xf32>
          %max3A_818 = arith.maximumf %min3A_706, %min3A_816 : vector<16xf32>
          %max3A_819 = arith.maximumf %max3A_707, %max3A_815 : vector<16xf32>
          %max3A_820 = arith.maximumf %min3A_708, %min3A_814 : vector<16xf32>
          %max3A_821 = arith.maximumf %max3A_709, %max3A_813 : vector<16xf32>
          %max3A_822 = arith.maximumf %min3A_710, %min3A_812 : vector<16xf32>
          %max3A_823 = arith.maximumf %max3A_711, %max3A_811 : vector<16xf32>
          %max3A_824 = arith.maximumf %min3A_712, %max3A_799 : vector<16xf32>
          %max3A_825 = arith.maximumf %max3A_817, %max3A_821 : vector<16xf32>
          %min3A_826 = arith.minimumf %max3A_817, %max3A_821 : vector<16xf32>
          %max3A_827 = arith.maximumf %max3A_818, %max3A_822 : vector<16xf32>
          %min3A_828 = arith.minimumf %max3A_818, %max3A_822 : vector<16xf32>
          %max3A_829 = arith.maximumf %max3A_819, %max3A_823 : vector<16xf32>
          %min3A_830 = arith.minimumf %max3A_819, %max3A_823 : vector<16xf32>
          %max3A_831 = arith.maximumf %max3A_820, %max3A_824 : vector<16xf32>
          %min3A_832 = arith.minimumf %max3A_820, %max3A_824 : vector<16xf32>
          %max3A_833 = arith.maximumf %max3A_825, %max3A_829 : vector<16xf32>
          %min3A_834 = arith.minimumf %max3A_825, %max3A_829 : vector<16xf32>
          %max3A_835 = arith.maximumf %max3A_827, %max3A_831 : vector<16xf32>
          %min3A_836 = arith.minimumf %max3A_827, %max3A_831 : vector<16xf32>
          %max3A_837 = arith.maximumf %min3A_826, %min3A_830 : vector<16xf32>
          %min3A_838 = arith.minimumf %min3A_826, %min3A_830 : vector<16xf32>
          %max3A_839 = arith.maximumf %min3A_828, %min3A_832 : vector<16xf32>
          %min3A_840 = arith.minimumf %min3A_828, %min3A_832 : vector<16xf32>
          %max3A_841 = arith.maximumf %max3A_833, %max3A_835 : vector<16xf32>
          %min3A_842 = arith.minimumf %max3A_833, %max3A_835 : vector<16xf32>
          %max3A_843 = arith.maximumf %min3A_834, %min3A_836 : vector<16xf32>
          %min3A_844 = arith.minimumf %min3A_834, %min3A_836 : vector<16xf32>
          %max3A_845 = arith.maximumf %max3A_837, %max3A_839 : vector<16xf32>
          %min3A_846 = arith.minimumf %max3A_837, %max3A_839 : vector<16xf32>
          %max3A_847 = arith.maximumf %min3A_838, %min3A_840 : vector<16xf32>
          %min3A_848 = arith.minimumf %min3A_838, %min3A_840 : vector<16xf32>
          scf.yield %max3A_841, %min3A_842, %max3A_843, %min3A_844, %max3A_845, %min3A_846, %max3A_847, %min3A_848 : vector<16xf32>, vector<16xf32>, vector<16xf32>, vector<16xf32>, vector<16xf32>, vector<16xf32>, vector<16xf32>, vector<16xf32>
        }
        %scan3A_522 = arith.constant 32 : i32
        %swap3A_523 = arith.constant 0 : i32
        %swap3A_524 = arith.index_cast %swap3A_523 : i32 to index
        %swap3A_525 = arith.index_cast %multiple_of3A : i32 to index
        %swap3A_526 = tpu.vector_load %arg6[%swap3A_524, %swap3A_525] {strides = array<i32>} : memref<8x128xf32, #tpu.memory_space<vmem>>, vector<1x16xf32>,
        %swap3A_527 = vector.shape_cast %swap3A_526 : vector<1x16xf32> to vector<16xf32>
        %swap3A_528 = vector.shape_cast %scan3A_521#0 : vector<16xf32> to vector<1x16xf32>
        tpu.vector_store %arg6[%swap3A_524, %swap3A_525], %swap3A_528 {strides = array<i32>} : memref<8x128xf32, #tpu.memory_space<vmem>>, vector<1x16xf32>,
        %swap3A_529 = arith.constant 1 : i32
        %swap3A_530 = arith.index_cast %swap3A_529 : i32 to index
        %swap3A_531 = arith.index_cast %multiple_of3A : i32 to index
        %swap3A_532 = tpu.vector_load %arg6[%swap3A_530, %swap3A_531] {strides = array<i32>} : memref<8x128xf32, #tpu.memory_space<vmem>>, vector<1x16xf32>,
        %swap3A_533 = vector.shape_cast %swap3A_532 : vector<1x16xf32> to vector<16xf32>
        %swap3A_534 = vector.shape_cast %scan3A_521#1 : vector<16xf32> to vector<1x16xf32>
        tpu.vector_store %arg6[%swap3A_530, %swap3A_531], %swap3A_534 {strides = array<i32>} : memref<8x128xf32, #tpu.memory_space<vmem>>, vector<1x16xf32>,
        %swap3A_535 = arith.constant 2 : i32
        %swap3A_536 = arith.index_cast %swap3A_535 : i32 to index
        %swap3A_537 = arith.index_cast %multiple_of3A : i32 to index
        %swap3A_538 = tpu.vector_load %arg6[%swap3A_536, %swap3A_537] {strides = array<i32>} : memref<8x128xf32, #tpu.memory_space<vmem>>, vector<1x16xf32>,
        %swap3A_539 = vector.shape_cast %swap3A_538 : vector<1x16xf32> to vector<16xf32>
        %swap3A_540 = vector.shape_cast %scan3A_521#2 : vector<16xf32> to vector<1x16xf32>
        tpu.vector_store %arg6[%swap3A_536, %swap3A_537], %swap3A_540 {strides = array<i32>} : memref<8x128xf32, #tpu.memory_space<vmem>>, vector<1x16xf32>,
        %swap3A_541 = arith.constant 3 : i32
        %swap3A_542 = arith.index_cast %swap3A_541 : i32 to index
        %swap3A_543 = arith.index_cast %multiple_of3A : i32 to index
        %swap3A_544 = tpu.vector_load %arg6[%swap3A_542, %swap3A_543] {strides = array<i32>} : memref<8x128xf32, #tpu.memory_space<vmem>>, vector<1x16xf32>,
        %swap3A_545 = vector.shape_cast %swap3A_544 : vector<1x16xf32> to vector<16xf32>
        %swap3A_546 = vector.shape_cast %scan3A_521#3 : vector<16xf32> to vector<1x16xf32>
        tpu.vector_store %arg6[%swap3A_542, %swap3A_543], %swap3A_546 {strides = array<i32>} : memref<8x128xf32, #tpu.memory_space<vmem>>, vector<1x16xf32>,
        %swap3A_547 = arith.constant 4 : i32
        %swap3A_548 = arith.index_cast %swap3A_547 : i32 to index
        %swap3A_549 = arith.index_cast %multiple_of3A : i32 to index
        %swap3A_550 = tpu.vector_load %arg6[%swap3A_548, %swap3A_549] {strides = array<i32>} : memref<8x128xf32, #tpu.memory_space<vmem>>, vector<1x16xf32>,
        %swap3A_551 = vector.shape_cast %swap3A_550 : vector<1x16xf32> to vector<16xf32>
        %swap3A_552 = vector.shape_cast %scan3A_521#4 : vector<16xf32> to vector<1x16xf32>
        tpu.vector_store %arg6[%swap3A_548, %swap3A_549], %swap3A_552 {strides = array<i32>} : memref<8x128xf32, #tpu.memory_space<vmem>>, vector<1x16xf32>,
        %swap3A_553 = arith.constant 5 : i32
        %swap3A_554 = arith.index_cast %swap3A_553 : i32 to index
        %swap3A_555 = arith.index_cast %multiple_of3A : i32 to index
        %swap3A_556 = tpu.vector_load %arg6[%swap3A_554, %swap3A_555] {strides = array<i32>} : memref<8x128xf32, #tpu.memory_space<vmem>>, vector<1x16xf32>,
        %swap3A_557 = vector.shape_cast %swap3A_556 : vector<1x16xf32> to vector<16xf32>
        %swap3A_558 = vector.shape_cast %scan3A_521#5 : vector<16xf32> to vector<1x16xf32>
        tpu.vector_store %arg6[%swap3A_554, %swap3A_555], %swap3A_558 {strides = array<i32>} : memref<8x128xf32, #tpu.memory_space<vmem>>, vector<1x16xf32>,
        %swap3A_559 = arith.constant 6 : i32
        %swap3A_560 = arith.index_cast %swap3A_559 : i32 to index
        %swap3A_561 = arith.index_cast %multiple_of3A : i32 to index
        %swap3A_562 = tpu.vector_load %arg6[%swap3A_560, %swap3A_561] {strides = array<i32>} : memref<8x128xf32, #tpu.memory_space<vmem>>, vector<1x16xf32>,
        %swap3A_563 = vector.shape_cast %swap3A_562 : vector<1x16xf32> to vector<16xf32>
        %swap3A_564 = vector.shape_cast %scan3A_521#6 : vector<16xf32> to vector<1x16xf32>
        tpu.vector_store %arg6[%swap3A_560, %swap3A_561], %swap3A_564 {strides = array<i32>} : memref<8x128xf32, #tpu.memory_space<vmem>>, vector<1x16xf32>,
        %swap3A_565 = arith.constant 7 : i32
        %swap3A_566 = arith.index_cast %swap3A_565 : i32 to index
        %swap3A_567 = arith.index_cast %multiple_of3A : i32 to index
        %swap3A_568 = tpu.vector_load %arg6[%swap3A_566, %swap3A_567] {strides = array<i32>} : memref<8x128xf32, #tpu.memory_space<vmem>>, vector<1x16xf32>,
        %swap3A_569 = vector.shape_cast %swap3A_568 : vector<1x16xf32> to vector<16xf32>
        %swap3A_570 = vector.shape_cast %scan3A_521#7 : vector<16xf32> to vector<1x16xf32>
        tpu.vector_store %arg6[%swap3A_566, %swap3A_567], %swap3A_570 {strides = array<i32>} : memref<8x128xf32, #tpu.memory_space<vmem>>, vector<1x16xf32>,
        %scan3A_571 = arith.constant 0 : i32
        scf.yield %scan3A_571 : i32
      }
      %scan3A_448 = arith.constant 8 : i32
      %mul3A_449 = arith.constant 2 : i32
      %mul3A_450 = arith.muli %scan3A_428, %mul3A_449 : i32
      %add3A_451 = arith.constant 1 : i32
      %add3A_452 = arith.addi %mul3A_450, %add3A_451 : i32
      %mul3A_453 = arith.constant 256 : i32
      %mul3A_454 = arith.muli %add3A_452, %mul3A_453 : i32
      %dma_wait3A_455 = tpu.memref_slice %arg2[%select_n3A, %mul3A_454, %mul3A_32] : memref<4x8192x1024xf32, #tpu.memory_space<hbm>> -> memref<1x256x128xf32, #tpu.memory_space<hbm>>
      %dma_wait3A_456 = tpu.memref_squeeze %dma_wait3A_455 : memref<1x256x128xf32, #tpu.memory_space<hbm>> -> memref<256x128xf32, #tpu.memory_space<hbm>>
      %dma_wait3A_457 = tpu.memref_slice %arg2[%select_n3A, %mul3A_454, %mul3A_32] : memref<4x8192x1024xf32, #tpu.memory_space<hbm>> -> memref<1x256x128xf32, #tpu.memory_space<hbm>>
      %dma_wait3A_458 = tpu.memref_squeeze %dma_wait3A_457 : memref<1x256x128xf32, #tpu.memory_space<hbm>> -> memref<256x128xf32, #tpu.memory_space<hbm>>
      tpu.wait_dma2 semaphore(%arg8 : memref<!tpu.dma_semaphore, #tpu.memory_space<semaphore_mem>>) src(%dma_wait3A_458 : memref<256x128xf32, #tpu.memory_space<hbm>>) dst(%arg5 : memref<256x128xf32, #tpu.memory_space<vmem>>)
      %add3A_459 = arith.constant 1 : i32
      %add3A_460 = arith.addi %add3A_452, %add3A_459 : i32
      %lt3A_461 = arith.constant 32 : i32
      %lt3A_462 = arith.cmpi slt, %add3A_460, %lt3A_461 : i32
      %convert_element_type3A_463 = arith.extui %lt3A_462 : i1 to i32
      %cond3A_464 = arith.constant 0 : i32
      %cond3A_465 = arith.cmpi ne, %convert_element_type3A_463, %cond3A_464 : i32
      scf.if %cond3A_465 {
        %add3A_474 = arith.constant 1 : i32
        %add3A_475 = arith.addi %add3A_452, %add3A_474 : i32
        %mul3A_476 = arith.constant 256 : i32
        %mul3A_477 = arith.muli %add3A_475, %mul3A_476 : i32
        %dma_start3A_478 = tpu.memref_slice %arg2[%select_n3A, %mul3A_477, %mul3A_32] : memref<4x8192x1024xf32, #tpu.memory_space<hbm>> -> memref<1x256x128xf32, #tpu.memory_space<hbm>>
        %dma_start3A_479 = tpu.memref_squeeze %dma_start3A_478 : memref<1x256x128xf32, #tpu.memory_space<hbm>> -> memref<256x128xf32, #tpu.memory_space<hbm>>
        %dma_start3A_480 = tpu.memref_slice %arg2[%select_n3A, %mul3A_477, %mul3A_32] : memref<4x8192x1024xf32, #tpu.memory_space<hbm>> -> memref<1x256x128xf32, #tpu.memory_space<hbm>>
        %dma_start3A_481 = tpu.memref_squeeze %dma_start3A_480 : memref<1x256x128xf32, #tpu.memory_space<hbm>> -> memref<256x128xf32, #tpu.memory_space<hbm>>
        tpu.enqueue_dma source(%dma_start3A_481 : memref<256x128xf32, #tpu.memory_space<hbm>>) target(%arg4 : memref<256x128xf32, #tpu.memory_space<vmem>>) target_semaphore(%arg7 : memref<!tpu.dma_semaphore, #tpu.memory_space<semaphore_mem>>)
      } else {
      }
      %scan3A_466 = arith.constant 0 : i32
      %scan3A_467 = arith.constant 0 : i32
      %scan3A_468 = arith.constant 8 : i32
      %scan3A_469 = arith.addi %scan3A_467, %scan3A_468 : i32
      %scan3A_470 = arith.constant 1 : i32
      %scan3A_471 = scf.for %scan3A_474 = %scan3A_467 to %scan3A_469 step %scan3A_470 iter_args(%scan3A_475 = %scan3A_466) -> (i32)  : i32 {
        %mul3A_476 = arith.constant 16 : i32
        %mul3A_477 = arith.muli %scan3A_474, %mul3A_476 : i32
        %multiple_of3A = tpu.assume_multiple %mul3A_477, 16 : i32
        %get3A = arith.constant 0 : i32
        %get3A_478 = arith.index_cast %get3A : i32 to index
        %get3A_479 = arith.index_cast %multiple_of3A : i32 to index
        %get3A_480 = tpu.vector_load %arg6[%get3A_478, %get3A_479] {strides = array<i32>} : memref<8x128xf32, #tpu.memory_space<vmem>>, vector<1x16xf32>,
        %get3A_481 = vector.shape_cast %get3A_480 : vector<1x16xf32> to vector<16xf32>
        %get3A_482 = arith.constant 1 : i32
        %get3A_483 = arith.index_cast %get3A_482 : i32 to index
        %get3A_484 = arith.index_cast %multiple_of3A : i32 to index
        %get3A_485 = tpu.vector_load %arg6[%get3A_483, %get3A_484] {strides = array<i32>} : memref<8x128xf32, #tpu.memory_space<vmem>>, vector<1x16xf32>,
        %get3A_486 = vector.shape_cast %get3A_485 : vector<1x16xf32> to vector<16xf32>
        %get3A_487 = arith.constant 2 : i32
        %get3A_488 = arith.index_cast %get3A_487 : i32 to index
        %get3A_489 = arith.index_cast %multiple_of3A : i32 to index
        %get3A_490 = tpu.vector_load %arg6[%get3A_488, %get3A_489] {strides = array<i32>} : memref<8x128xf32, #tpu.memory_space<vmem>>, vector<1x16xf32>,
        %get3A_491 = vector.shape_cast %get3A_490 : vector<1x16xf32> to vector<16xf32>
        %get3A_492 = arith.constant 3 : i32
        %get3A_493 = arith.index_cast %get3A_492 : i32 to index
        %get3A_494 = arith.index_cast %multiple_of3A : i32 to index
        %get3A_495 = tpu.vector_load %arg6[%get3A_493, %get3A_494] {strides = array<i32>} : memref<8x128xf32, #tpu.memory_space<vmem>>, vector<1x16xf32>,
        %get3A_496 = vector.shape_cast %get3A_495 : vector<1x16xf32> to vector<16xf32>
        %get3A_497 = arith.constant 4 : i32
        %get3A_498 = arith.index_cast %get3A_497 : i32 to index
        %get3A_499 = arith.index_cast %multiple_of3A : i32 to index
        %get3A_500 = tpu.vector_load %arg6[%get3A_498, %get3A_499] {strides = array<i32>} : memref<8x128xf32, #tpu.memory_space<vmem>>, vector<1x16xf32>,
        %get3A_501 = vector.shape_cast %get3A_500 : vector<1x16xf32> to vector<16xf32>
        %get3A_502 = arith.constant 5 : i32
        %get3A_503 = arith.index_cast %get3A_502 : i32 to index
        %get3A_504 = arith.index_cast %multiple_of3A : i32 to index
        %get3A_505 = tpu.vector_load %arg6[%get3A_503, %get3A_504] {strides = array<i32>} : memref<8x128xf32, #tpu.memory_space<vmem>>, vector<1x16xf32>,
        %get3A_506 = vector.shape_cast %get3A_505 : vector<1x16xf32> to vector<16xf32>
        %get3A_507 = arith.constant 6 : i32
        %get3A_508 = arith.index_cast %get3A_507 : i32 to index
        %get3A_509 = arith.index_cast %multiple_of3A : i32 to index
        %get3A_510 = tpu.vector_load %arg6[%get3A_508, %get3A_509] {strides = array<i32>} : memref<8x128xf32, #tpu.memory_space<vmem>>, vector<1x16xf32>,
        %get3A_511 = vector.shape_cast %get3A_510 : vector<1x16xf32> to vector<16xf32>
        %get3A_512 = arith.constant 7 : i32
        %get3A_513 = arith.index_cast %get3A_512 : i32 to index
        %get3A_514 = arith.index_cast %multiple_of3A : i32 to index
        %get3A_515 = tpu.vector_load %arg6[%get3A_513, %get3A_514] {strides = array<i32>} : memref<8x128xf32, #tpu.memory_space<vmem>>, vector<1x16xf32>,
        %get3A_516 = vector.shape_cast %get3A_515 : vector<1x16xf32> to vector<16xf32>
        %scan3A_517 = arith.constant 0 : i32
        %scan3A_518 = arith.constant 32 : i32
        %scan3A_519 = arith.addi %scan3A_517, %scan3A_518 : i32
        %scan3A_520 = arith.constant 2 : i32
        %scan3A_521:8 = scf.for %scan3A_572 = %scan3A_517 to %scan3A_519 step %scan3A_520 iter_args(%scan3A_573 = %get3A_481, %scan3A_574 = %get3A_486, %scan3A_575 = %get3A_491, %scan3A_576 = %get3A_496, %scan3A_577 = %get3A_501, %scan3A_578 = %get3A_506, %scan3A_579 = %get3A_511, %scan3A_580 = %get3A_516) -> (vector<16xf32>, vector<16xf32>, vector<16xf32>, vector<16xf32>, vector<16xf32>, vector<16xf32>, vector<16xf32>, vector<16xf32>)  : i32 {
          %mul3A_581 = arith.constant 8 : i32
          %mul3A_582 = arith.muli %scan3A_572, %mul3A_581 : i32
          %add3A_583 = arith.constant 0 : i32
          %add3A_584 = arith.addi %mul3A_582, %add3A_583 : i32
          %get3A_585 = arith.index_cast %add3A_584 : i32 to index
          %get3A_586 = arith.index_cast %multiple_of3A : i32 to index
          %get3A_587 = tpu.vector_load %arg5[%get3A_585, %get3A_586] {strides = array<i32>} : memref<256x128xf32, #tpu.memory_space<vmem>>, vector<1x16xf32>,
          %get3A_588 = vector.shape_cast %get3A_587 : vector<1x16xf32> to vector<16xf32>
          %mul3A_589 = arith.constant 8 : i32
          %mul3A_590 = arith.muli %scan3A_572, %mul3A_589 : i32
          %add3A_591 = arith.constant 1 : i32
          %add3A_592 = arith.addi %mul3A_590, %add3A_591 : i32
          %get3A_593 = arith.index_cast %add3A_592 : i32 to index
          %get3A_594 = arith.index_cast %multiple_of3A : i32 to index
          %get3A_595 = tpu.vector_load %arg5[%get3A_593, %get3A_594] {strides = array<i32>} : memref<256x128xf32, #tpu.memory_space<vmem>>, vector<1x16xf32>,
          %get3A_596 = vector.shape_cast %get3A_595 : vector<1x16xf32> to vector<16xf32>
          %mul3A_597 = arith.constant 8 : i32
          %mul3A_598 = arith.muli %scan3A_572, %mul3A_597 : i32
          %add3A_599 = arith.constant 2 : i32
          %add3A_600 = arith.addi %mul3A_598, %add3A_599 : i32
          %get3A_601 = arith.index_cast %add3A_600 : i32 to index
          %get3A_602 = arith.index_cast %multiple_of3A : i32 to index
          %get3A_603 = tpu.vector_load %arg5[%get3A_601, %get3A_602] {strides = array<i32>} : memref<256x128xf32, #tpu.memory_space<vmem>>, vector<1x16xf32>,
          %get3A_604 = vector.shape_cast %get3A_603 : vector<1x16xf32> to vector<16xf32>
          %mul3A_605 = arith.constant 8 : i32
          %mul3A_606 = arith.muli %scan3A_572, %mul3A_605 : i32
          %add3A_607 = arith.constant 3 : i32
          %add3A_608 = arith.addi %mul3A_606, %add3A_607 : i32
          %get3A_609 = arith.index_cast %add3A_608 : i32 to index
          %get3A_610 = arith.index_cast %multiple_of3A : i32 to index
          %get3A_611 = tpu.vector_load %arg5[%get3A_609, %get3A_610] {strides = array<i32>} : memref<256x128xf32, #tpu.memory_space<vmem>>, vector<1x16xf32>,
          %get3A_612 = vector.shape_cast %get3A_611 : vector<1x16xf32> to vector<16xf32>
          %mul3A_613 = arith.constant 8 : i32
          %mul3A_614 = arith.muli %scan3A_572, %mul3A_613 : i32
          %add3A_615 = arith.constant 4 : i32
          %add3A_616 = arith.addi %mul3A_614, %add3A_615 : i32
          %get3A_617 = arith.index_cast %add3A_616 : i32 to index
          %get3A_618 = arith.index_cast %multiple_of3A : i32 to index
          %get3A_619 = tpu.vector_load %arg5[%get3A_617, %get3A_618] {strides = array<i32>} : memref<256x128xf32, #tpu.memory_space<vmem>>, vector<1x16xf32>,
          %get3A_620 = vector.shape_cast %get3A_619 : vector<1x16xf32> to vector<16xf32>
          %mul3A_621 = arith.constant 8 : i32
          %mul3A_622 = arith.muli %scan3A_572, %mul3A_621 : i32
          %add3A_623 = arith.constant 5 : i32
          %add3A_624 = arith.addi %mul3A_622, %add3A_623 : i32
          %get3A_625 = arith.index_cast %add3A_624 : i32 to index
          %get3A_626 = arith.index_cast %multiple_of3A : i32 to index
          %get3A_627 = tpu.vector_load %arg5[%get3A_625, %get3A_626] {strides = array<i32>} : memref<256x128xf32, #tpu.memory_space<vmem>>, vector<1x16xf32>,
          %get3A_628 = vector.shape_cast %get3A_627 : vector<1x16xf32> to vector<16xf32>
          %mul3A_629 = arith.constant 8 : i32
          %mul3A_630 = arith.muli %scan3A_572, %mul3A_629 : i32
          %add3A_631 = arith.constant 6 : i32
          %add3A_632 = arith.addi %mul3A_630, %add3A_631 : i32
          %get3A_633 = arith.index_cast %add3A_632 : i32 to index
          %get3A_634 = arith.index_cast %multiple_of3A : i32 to index
          %get3A_635 = tpu.vector_load %arg5[%get3A_633, %get3A_634] {strides = array<i32>} : memref<256x128xf32, #tpu.memory_space<vmem>>, vector<1x16xf32>,
          %get3A_636 = vector.shape_cast %get3A_635 : vector<1x16xf32> to vector<16xf32>
          %mul3A_637 = arith.constant 8 : i32
          %mul3A_638 = arith.muli %scan3A_572, %mul3A_637 : i32
          %add3A_639 = arith.constant 7 : i32
          %add3A_640 = arith.addi %mul3A_638, %add3A_639 : i32
          %get3A_641 = arith.index_cast %add3A_640 : i32 to index
          %get3A_642 = arith.index_cast %multiple_of3A : i32 to index
          %get3A_643 = tpu.vector_load %arg5[%get3A_641, %get3A_642] {strides = array<i32>} : memref<256x128xf32, #tpu.memory_space<vmem>>, vector<1x16xf32>,
          %get3A_644 = vector.shape_cast %get3A_643 : vector<1x16xf32> to vector<16xf32>
          %max3A = arith.maximumf %get3A_588, %get3A_596 : vector<16xf32>
          %min3A = arith.minimumf %get3A_588, %get3A_596 : vector<16xf32>
          %max3A_645 = arith.maximumf %get3A_604, %get3A_612 : vector<16xf32>
          %min3A_646 = arith.minimumf %get3A_604, %get3A_612 : vector<16xf32>
          %max3A_647 = arith.maximumf %get3A_620, %get3A_628 : vector<16xf32>
          %min3A_648 = arith.minimumf %get3A_620, %get3A_628 : vector<16xf32>
          %max3A_649 = arith.maximumf %get3A_636, %get3A_644 : vector<16xf32>
          %min3A_650 = arith.minimumf %get3A_636, %get3A_644 : vector<16xf32>
          %max3A_651 = arith.maximumf %max3A, %max3A_645 : vector<16xf32>
          %min3A_652 = arith.minimumf %max3A, %max3A_645 : vector<16xf32>
          %max3A_653 = arith.maximumf %min3A, %min3A_646 : vector<16xf32>
          %min3A_654 = arith.minimumf %min3A, %min3A_646 : vector<16xf32>
          %max3A_655 = arith.maximumf %max3A_647, %max3A_649 : vector<16xf32>
          %min3A_656 = arith.minimumf %max3A_647, %max3A_649 : vector<16xf32>
          %max3A_657 = arith.maximumf %min3A_648, %min3A_650 : vector<16xf32>
          %min3A_658 = arith.minimumf %min3A_648, %min3A_650 : vector<16xf32>
          %max3A_659 = arith.maximumf %max3A_653, %min3A_652 : vector<16xf32>
          %min3A_660 = arith.minimumf %max3A_653, %min3A_652 : vector<16xf32>
          %max3A_661 = arith.maximumf %max3A_657, %min3A_656 : vector<16xf32>
          %min3A_662 = arith.minimumf %max3A_657, %min3A_656 : vector<16xf32>
          %max3A_663 = arith.maximumf %max3A_651, %max3A_655 : vector<16xf32>
          %min3A_664 = arith.minimumf %max3A_651, %max3A_655 : vector<16xf32>
          %max3A_665 = arith.maximumf %max3A_659, %max3A_661 : vector<16xf32>
          %min3A_666 = arith.minimumf %max3A_659, %max3A_661 : vector<16xf32>
          %max3A_667 = arith.maximumf %min3A_660, %min3A_662 : vector<16xf32>
          %min3A_668 = arith.minimumf %min3A_660, %min3A_662 : vector<16xf32>
          %max3A_669 = arith.maximumf %min3A_654, %min3A_658 : vector<16xf32>
          %min3A_670 = arith.minimumf %min3A_654, %min3A_658 : vector<16xf32>
          %max3A_671 = arith.maximumf %max3A_667, %min3A_664 : vector<16xf32>
          %min3A_672 = arith.minimumf %max3A_667, %min3A_664 : vector<16xf32>
          %max3A_673 = arith.maximumf %max3A_669, %min3A_666 : vector<16xf32>
          %min3A_674 = arith.minimumf %max3A_669, %min3A_666 : vector<16xf32>
          %max3A_675 = arith.maximumf %max3A_665, %max3A_671 : vector<16xf32>
          %min3A_676 = arith.minimumf %max3A_665, %max3A_671 : vector<16xf32>
          %max3A_677 = arith.maximumf %max3A_673, %min3A_672 : vector<16xf32>
          %min3A_678 = arith.minimumf %max3A_673, %min3A_672 : vector<16xf32>
          %max3A_679 = arith.maximumf %min3A_674, %min3A_668 : vector<16xf32>
          %min3A_680 = arith.minimumf %min3A_674, %min3A_668 : vector<16xf32>
          %max3A_681 = arith.maximumf %scan3A_573, %min3A_670 : vector<16xf32>
          %max3A_682 = arith.maximumf %scan3A_574, %min3A_680 : vector<16xf32>
          %max3A_683 = arith.maximumf %scan3A_575, %max3A_679 : vector<16xf32>
          %max3A_684 = arith.maximumf %scan3A_576, %min3A_678 : vector<16xf32>
          %max3A_685 = arith.maximumf %scan3A_577, %max3A_677 : vector<16xf32>
          %max3A_686 = arith.maximumf %scan3A_578, %min3A_676 : vector<16xf32>
          %max3A_687 = arith.maximumf %scan3A_579, %max3A_675 : vector<16xf32>
          %max3A_688 = arith.maximumf %scan3A_580, %max3A_663 : vector<16xf32>
          %max3A_689 = arith.maximumf %max3A_681, %max3A_685 : vector<16xf32>
          %min3A_690 = arith.minimumf %max3A_681, %max3A_685 : vector<16xf32>
          %max3A_691 = arith.maximumf %max3A_682, %max3A_686 : vector<16xf32>
          %min3A_692 = arith.minimumf %max3A_682, %max3A_686 : vector<16xf32>
          %max3A_693 = arith.maximumf %max3A_683, %max3A_687 : vector<16xf32>
          %min3A_694 = arith.minimumf %max3A_683, %max3A_687 : vector<16xf32>
          %max3A_695 = arith.maximumf %max3A_684, %max3A_688 : vector<16xf32>
          %min3A_696 = arith.minimumf %max3A_684, %max3A_688 : vector<16xf32>
          %max3A_697 = arith.maximumf %max3A_689, %max3A_693 : vector<16xf32>
          %min3A_698 = arith.minimumf %max3A_689, %max3A_693 : vector<16xf32>
          %max3A_699 = arith.maximumf %max3A_691, %max3A_695 : vector<16xf32>
          %min3A_700 = arith.minimumf %max3A_691, %max3A_695 : vector<16xf32>
          %max3A_701 = arith.maximumf %min3A_690, %min3A_694 : vector<16xf32>
          %min3A_702 = arith.minimumf %min3A_690, %min3A_694 : vector<16xf32>
          %max3A_703 = arith.maximumf %min3A_692, %min3A_696 : vector<16xf32>
          %min3A_704 = arith.minimumf %min3A_692, %min3A_696 : vector<16xf32>
          %max3A_705 = arith.maximumf %max3A_697, %max3A_699 : vector<16xf32>
          %min3A_706 = arith.minimumf %max3A_697, %max3A_699 : vector<16xf32>
          %max3A_707 = arith.maximumf %min3A_698, %min3A_700 : vector<16xf32>
          %min3A_708 = arith.minimumf %min3A_698, %min3A_700 : vector<16xf32>
          %max3A_709 = arith.maximumf %max3A_701, %max3A_703 : vector<16xf32>
          %min3A_710 = arith.minimumf %max3A_701, %max3A_703 : vector<16xf32>
          %max3A_711 = arith.maximumf %min3A_702, %min3A_704 : vector<16xf32>
          %min3A_712 = arith.minimumf %min3A_702, %min3A_704 : vector<16xf32>
          %scan3A_713 = arith.constant 1 : i32
          %scan3A_714 = arith.addi %scan3A_572, %scan3A_713 : i32
          %mul3A_715 = arith.constant 8 : i32
          %mul3A_716 = arith.muli %scan3A_714, %mul3A_715 : i32
          %add3A_717 = arith.constant 0 : i32
          %add3A_718 = arith.addi %mul3A_716, %add3A_717 : i32
          %get3A_719 = arith.index_cast %add3A_718 : i32 to index
          %get3A_720 = arith.index_cast %multiple_of3A : i32 to index
          %get3A_721 = tpu.vector_load %arg5[%get3A_719, %get3A_720] {strides = array<i32>} : memref<256x128xf32, #tpu.memory_space<vmem>>, vector<1x16xf32>,
          %get3A_722 = vector.shape_cast %get3A_721 : vector<1x16xf32> to vector<16xf32>
          %mul3A_723 = arith.constant 8 : i32
          %mul3A_724 = arith.muli %scan3A_714, %mul3A_723 : i32
          %add3A_725 = arith.constant 1 : i32
          %add3A_726 = arith.addi %mul3A_724, %add3A_725 : i32
          %get3A_727 = arith.index_cast %add3A_726 : i32 to index
          %get3A_728 = arith.index_cast %multiple_of3A : i32 to index
          %get3A_729 = tpu.vector_load %arg5[%get3A_727, %get3A_728] {strides = array<i32>} : memref<256x128xf32, #tpu.memory_space<vmem>>, vector<1x16xf32>,
          %get3A_730 = vector.shape_cast %get3A_729 : vector<1x16xf32> to vector<16xf32>
          %mul3A_731 = arith.constant 8 : i32
          %mul3A_732 = arith.muli %scan3A_714, %mul3A_731 : i32
          %add3A_733 = arith.constant 2 : i32
          %add3A_734 = arith.addi %mul3A_732, %add3A_733 : i32
          %get3A_735 = arith.index_cast %add3A_734 : i32 to index
          %get3A_736 = arith.index_cast %multiple_of3A : i32 to index
          %get3A_737 = tpu.vector_load %arg5[%get3A_735, %get3A_736] {strides = array<i32>} : memref<256x128xf32, #tpu.memory_space<vmem>>, vector<1x16xf32>,
          %get3A_738 = vector.shape_cast %get3A_737 : vector<1x16xf32> to vector<16xf32>
          %mul3A_739 = arith.constant 8 : i32
          %mul3A_740 = arith.muli %scan3A_714, %mul3A_739 : i32
          %add3A_741 = arith.constant 3 : i32
          %add3A_742 = arith.addi %mul3A_740, %add3A_741 : i32
          %get3A_743 = arith.index_cast %add3A_742 : i32 to index
          %get3A_744 = arith.index_cast %multiple_of3A : i32 to index
          %get3A_745 = tpu.vector_load %arg5[%get3A_743, %get3A_744] {strides = array<i32>} : memref<256x128xf32, #tpu.memory_space<vmem>>, vector<1x16xf32>,
          %get3A_746 = vector.shape_cast %get3A_745 : vector<1x16xf32> to vector<16xf32>
          %mul3A_747 = arith.constant 8 : i32
          %mul3A_748 = arith.muli %scan3A_714, %mul3A_747 : i32
          %add3A_749 = arith.constant 4 : i32
          %add3A_750 = arith.addi %mul3A_748, %add3A_749 : i32
          %get3A_751 = arith.index_cast %add3A_750 : i32 to index
          %get3A_752 = arith.index_cast %multiple_of3A : i32 to index
          %get3A_753 = tpu.vector_load %arg5[%get3A_751, %get3A_752] {strides = array<i32>} : memref<256x128xf32, #tpu.memory_space<vmem>>, vector<1x16xf32>,
          %get3A_754 = vector.shape_cast %get3A_753 : vector<1x16xf32> to vector<16xf32>
          %mul3A_755 = arith.constant 8 : i32
          %mul3A_756 = arith.muli %scan3A_714, %mul3A_755 : i32
          %add3A_757 = arith.constant 5 : i32
          %add3A_758 = arith.addi %mul3A_756, %add3A_757 : i32
          %get3A_759 = arith.index_cast %add3A_758 : i32 to index
          %get3A_760 = arith.index_cast %multiple_of3A : i32 to index
          %get3A_761 = tpu.vector_load %arg5[%get3A_759, %get3A_760] {strides = array<i32>} : memref<256x128xf32, #tpu.memory_space<vmem>>, vector<1x16xf32>,
          %get3A_762 = vector.shape_cast %get3A_761 : vector<1x16xf32> to vector<16xf32>
          %mul3A_763 = arith.constant 8 : i32
          %mul3A_764 = arith.muli %scan3A_714, %mul3A_763 : i32
          %add3A_765 = arith.constant 6 : i32
          %add3A_766 = arith.addi %mul3A_764, %add3A_765 : i32
          %get3A_767 = arith.index_cast %add3A_766 : i32 to index
          %get3A_768 = arith.index_cast %multiple_of3A : i32 to index
          %get3A_769 = tpu.vector_load %arg5[%get3A_767, %get3A_768] {strides = array<i32>} : memref<256x128xf32, #tpu.memory_space<vmem>>, vector<1x16xf32>,
          %get3A_770 = vector.shape_cast %get3A_769 : vector<1x16xf32> to vector<16xf32>
          %mul3A_771 = arith.constant 8 : i32
          %mul3A_772 = arith.muli %scan3A_714, %mul3A_771 : i32
          %add3A_773 = arith.constant 7 : i32
          %add3A_774 = arith.addi %mul3A_772, %add3A_773 : i32
          %get3A_775 = arith.index_cast %add3A_774 : i32 to index
          %get3A_776 = arith.index_cast %multiple_of3A : i32 to index
          %get3A_777 = tpu.vector_load %arg5[%get3A_775, %get3A_776] {strides = array<i32>} : memref<256x128xf32, #tpu.memory_space<vmem>>, vector<1x16xf32>,
          %get3A_778 = vector.shape_cast %get3A_777 : vector<1x16xf32> to vector<16xf32>
          %max3A_779 = arith.maximumf %get3A_722, %get3A_730 : vector<16xf32>
          %min3A_780 = arith.minimumf %get3A_722, %get3A_730 : vector<16xf32>
          %max3A_781 = arith.maximumf %get3A_738, %get3A_746 : vector<16xf32>
          %min3A_782 = arith.minimumf %get3A_738, %get3A_746 : vector<16xf32>
          %max3A_783 = arith.maximumf %get3A_754, %get3A_762 : vector<16xf32>
          %min3A_784 = arith.minimumf %get3A_754, %get3A_762 : vector<16xf32>
          %max3A_785 = arith.maximumf %get3A_770, %get3A_778 : vector<16xf32>
          %min3A_786 = arith.minimumf %get3A_770, %get3A_778 : vector<16xf32>
          %max3A_787 = arith.maximumf %max3A_779, %max3A_781 : vector<16xf32>
          %min3A_788 = arith.minimumf %max3A_779, %max3A_781 : vector<16xf32>
          %max3A_789 = arith.maximumf %min3A_780, %min3A_782 : vector<16xf32>
          %min3A_790 = arith.minimumf %min3A_780, %min3A_782 : vector<16xf32>
          %max3A_791 = arith.maximumf %max3A_783, %max3A_785 : vector<16xf32>
          %min3A_792 = arith.minimumf %max3A_783, %max3A_785 : vector<16xf32>
          %max3A_793 = arith.maximumf %min3A_784, %min3A_786 : vector<16xf32>
          %min3A_794 = arith.minimumf %min3A_784, %min3A_786 : vector<16xf32>
          %max3A_795 = arith.maximumf %max3A_789, %min3A_788 : vector<16xf32>
          %min3A_796 = arith.minimumf %max3A_789, %min3A_788 : vector<16xf32>
          %max3A_797 = arith.maximumf %max3A_793, %min3A_792 : vector<16xf32>
          %min3A_798 = arith.minimumf %max3A_793, %min3A_792 : vector<16xf32>
          %max3A_799 = arith.maximumf %max3A_787, %max3A_791 : vector<16xf32>
          %min3A_800 = arith.minimumf %max3A_787, %max3A_791 : vector<16xf32>
          %max3A_801 = arith.maximumf %max3A_795, %max3A_797 : vector<16xf32>
          %min3A_802 = arith.minimumf %max3A_795, %max3A_797 : vector<16xf32>
          %max3A_803 = arith.maximumf %min3A_796, %min3A_798 : vector<16xf32>
          %min3A_804 = arith.minimumf %min3A_796, %min3A_798 : vector<16xf32>
          %max3A_805 = arith.maximumf %min3A_790, %min3A_794 : vector<16xf32>
          %min3A_806 = arith.minimumf %min3A_790, %min3A_794 : vector<16xf32>
          %max3A_807 = arith.maximumf %max3A_803, %min3A_800 : vector<16xf32>
          %min3A_808 = arith.minimumf %max3A_803, %min3A_800 : vector<16xf32>
          %max3A_809 = arith.maximumf %max3A_805, %min3A_802 : vector<16xf32>
          %min3A_810 = arith.minimumf %max3A_805, %min3A_802 : vector<16xf32>
          %max3A_811 = arith.maximumf %max3A_801, %max3A_807 : vector<16xf32>
          %min3A_812 = arith.minimumf %max3A_801, %max3A_807 : vector<16xf32>
          %max3A_813 = arith.maximumf %max3A_809, %min3A_808 : vector<16xf32>
          %min3A_814 = arith.minimumf %max3A_809, %min3A_808 : vector<16xf32>
          %max3A_815 = arith.maximumf %min3A_810, %min3A_804 : vector<16xf32>
          %min3A_816 = arith.minimumf %min3A_810, %min3A_804 : vector<16xf32>
          %max3A_817 = arith.maximumf %max3A_705, %min3A_806 : vector<16xf32>
          %max3A_818 = arith.maximumf %min3A_706, %min3A_816 : vector<16xf32>
          %max3A_819 = arith.maximumf %max3A_707, %max3A_815 : vector<16xf32>
          %max3A_820 = arith.maximumf %min3A_708, %min3A_814 : vector<16xf32>
          %max3A_821 = arith.maximumf %max3A_709, %max3A_813 : vector<16xf32>
          %max3A_822 = arith.maximumf %min3A_710, %min3A_812 : vector<16xf32>
          %max3A_823 = arith.maximumf %max3A_711, %max3A_811 : vector<16xf32>
          %max3A_824 = arith.maximumf %min3A_712, %max3A_799 : vector<16xf32>
          %max3A_825 = arith.maximumf %max3A_817, %max3A_821 : vector<16xf32>
          %min3A_826 = arith.minimumf %max3A_817, %max3A_821 : vector<16xf32>
          %max3A_827 = arith.maximumf %max3A_818, %max3A_822 : vector<16xf32>
          %min3A_828 = arith.minimumf %max3A_818, %max3A_822 : vector<16xf32>
          %max3A_829 = arith.maximumf %max3A_819, %max3A_823 : vector<16xf32>
          %min3A_830 = arith.minimumf %max3A_819, %max3A_823 : vector<16xf32>
          %max3A_831 = arith.maximumf %max3A_820, %max3A_824 : vector<16xf32>
          %min3A_832 = arith.minimumf %max3A_820, %max3A_824 : vector<16xf32>
          %max3A_833 = arith.maximumf %max3A_825, %max3A_829 : vector<16xf32>
          %min3A_834 = arith.minimumf %max3A_825, %max3A_829 : vector<16xf32>
          %max3A_835 = arith.maximumf %max3A_827, %max3A_831 : vector<16xf32>
          %min3A_836 = arith.minimumf %max3A_827, %max3A_831 : vector<16xf32>
          %max3A_837 = arith.maximumf %min3A_826, %min3A_830 : vector<16xf32>
          %min3A_838 = arith.minimumf %min3A_826, %min3A_830 : vector<16xf32>
          %max3A_839 = arith.maximumf %min3A_828, %min3A_832 : vector<16xf32>
          %min3A_840 = arith.minimumf %min3A_828, %min3A_832 : vector<16xf32>
          %max3A_841 = arith.maximumf %max3A_833, %max3A_835 : vector<16xf32>
          %min3A_842 = arith.minimumf %max3A_833, %max3A_835 : vector<16xf32>
          %max3A_843 = arith.maximumf %min3A_834, %min3A_836 : vector<16xf32>
          %min3A_844 = arith.minimumf %min3A_834, %min3A_836 : vector<16xf32>
          %max3A_845 = arith.maximumf %max3A_837, %max3A_839 : vector<16xf32>
          %min3A_846 = arith.minimumf %max3A_837, %max3A_839 : vector<16xf32>
          %max3A_847 = arith.maximumf %min3A_838, %min3A_840 : vector<16xf32>
          %min3A_848 = arith.minimumf %min3A_838, %min3A_840 : vector<16xf32>
          scf.yield %max3A_841, %min3A_842, %max3A_843, %min3A_844, %max3A_845, %min3A_846, %max3A_847, %min3A_848 : vector<16xf32>, vector<16xf32>, vector<16xf32>, vector<16xf32>, vector<16xf32>, vector<16xf32>, vector<16xf32>, vector<16xf32>
        }
        %scan3A_522 = arith.constant 32 : i32
        %swap3A_523 = arith.constant 0 : i32
        %swap3A_524 = arith.index_cast %swap3A_523 : i32 to index
        %swap3A_525 = arith.index_cast %multiple_of3A : i32 to index
        %swap3A_526 = tpu.vector_load %arg6[%swap3A_524, %swap3A_525] {strides = array<i32>} : memref<8x128xf32, #tpu.memory_space<vmem>>, vector<1x16xf32>,
        %swap3A_527 = vector.shape_cast %swap3A_526 : vector<1x16xf32> to vector<16xf32>
        %swap3A_528 = vector.shape_cast %scan3A_521#0 : vector<16xf32> to vector<1x16xf32>
        tpu.vector_store %arg6[%swap3A_524, %swap3A_525], %swap3A_528 {strides = array<i32>} : memref<8x128xf32, #tpu.memory_space<vmem>>, vector<1x16xf32>,
        %swap3A_529 = arith.constant 1 : i32
        %swap3A_530 = arith.index_cast %swap3A_529 : i32 to index
        %swap3A_531 = arith.index_cast %multiple_of3A : i32 to index
        %swap3A_532 = tpu.vector_load %arg6[%swap3A_530, %swap3A_531] {strides = array<i32>} : memref<8x128xf32, #tpu.memory_space<vmem>>, vector<1x16xf32>,
        %swap3A_533 = vector.shape_cast %swap3A_532 : vector<1x16xf32> to vector<16xf32>
        %swap3A_534 = vector.shape_cast %scan3A_521#1 : vector<16xf32> to vector<1x16xf32>
        tpu.vector_store %arg6[%swap3A_530, %swap3A_531], %swap3A_534 {strides = array<i32>} : memref<8x128xf32, #tpu.memory_space<vmem>>, vector<1x16xf32>,
        %swap3A_535 = arith.constant 2 : i32
        %swap3A_536 = arith.index_cast %swap3A_535 : i32 to index
        %swap3A_537 = arith.index_cast %multiple_of3A : i32 to index
        %swap3A_538 = tpu.vector_load %arg6[%swap3A_536, %swap3A_537] {strides = array<i32>} : memref<8x128xf32, #tpu.memory_space<vmem>>, vector<1x16xf32>,
        %swap3A_539 = vector.shape_cast %swap3A_538 : vector<1x16xf32> to vector<16xf32>
        %swap3A_540 = vector.shape_cast %scan3A_521#2 : vector<16xf32> to vector<1x16xf32>
        tpu.vector_store %arg6[%swap3A_536, %swap3A_537], %swap3A_540 {strides = array<i32>} : memref<8x128xf32, #tpu.memory_space<vmem>>, vector<1x16xf32>,
        %swap3A_541 = arith.constant 3 : i32
        %swap3A_542 = arith.index_cast %swap3A_541 : i32 to index
        %swap3A_543 = arith.index_cast %multiple_of3A : i32 to index
        %swap3A_544 = tpu.vector_load %arg6[%swap3A_542, %swap3A_543] {strides = array<i32>} : memref<8x128xf32, #tpu.memory_space<vmem>>, vector<1x16xf32>,
        %swap3A_545 = vector.shape_cast %swap3A_544 : vector<1x16xf32> to vector<16xf32>
        %swap3A_546 = vector.shape_cast %scan3A_521#3 : vector<16xf32> to vector<1x16xf32>
        tpu.vector_store %arg6[%swap3A_542, %swap3A_543], %swap3A_546 {strides = array<i32>} : memref<8x128xf32, #tpu.memory_space<vmem>>, vector<1x16xf32>,
        %swap3A_547 = arith.constant 4 : i32
        %swap3A_548 = arith.index_cast %swap3A_547 : i32 to index
        %swap3A_549 = arith.index_cast %multiple_of3A : i32 to index
        %swap3A_550 = tpu.vector_load %arg6[%swap3A_548, %swap3A_549] {strides = array<i32>} : memref<8x128xf32, #tpu.memory_space<vmem>>, vector<1x16xf32>,
        %swap3A_551 = vector.shape_cast %swap3A_550 : vector<1x16xf32> to vector<16xf32>
        %swap3A_552 = vector.shape_cast %scan3A_521#4 : vector<16xf32> to vector<1x16xf32>
        tpu.vector_store %arg6[%swap3A_548, %swap3A_549], %swap3A_552 {strides = array<i32>} : memref<8x128xf32, #tpu.memory_space<vmem>>, vector<1x16xf32>,
        %swap3A_553 = arith.constant 5 : i32
        %swap3A_554 = arith.index_cast %swap3A_553 : i32 to index
        %swap3A_555 = arith.index_cast %multiple_of3A : i32 to index
        %swap3A_556 = tpu.vector_load %arg6[%swap3A_554, %swap3A_555] {strides = array<i32>} : memref<8x128xf32, #tpu.memory_space<vmem>>, vector<1x16xf32>,
        %swap3A_557 = vector.shape_cast %swap3A_556 : vector<1x16xf32> to vector<16xf32>
        %swap3A_558 = vector.shape_cast %scan3A_521#5 : vector<16xf32> to vector<1x16xf32>
        tpu.vector_store %arg6[%swap3A_554, %swap3A_555], %swap3A_558 {strides = array<i32>} : memref<8x128xf32, #tpu.memory_space<vmem>>, vector<1x16xf32>,
        %swap3A_559 = arith.constant 6 : i32
        %swap3A_560 = arith.index_cast %swap3A_559 : i32 to index
        %swap3A_561 = arith.index_cast %multiple_of3A : i32 to index
        %swap3A_562 = tpu.vector_load %arg6[%swap3A_560, %swap3A_561] {strides = array<i32>} : memref<8x128xf32, #tpu.memory_space<vmem>>, vector<1x16xf32>,
        %swap3A_563 = vector.shape_cast %swap3A_562 : vector<1x16xf32> to vector<16xf32>
        %swap3A_564 = vector.shape_cast %scan3A_521#6 : vector<16xf32> to vector<1x16xf32>
        tpu.vector_store %arg6[%swap3A_560, %swap3A_561], %swap3A_564 {strides = array<i32>} : memref<8x128xf32, #tpu.memory_space<vmem>>, vector<1x16xf32>,
        %swap3A_565 = arith.constant 7 : i32
        %swap3A_566 = arith.index_cast %swap3A_565 : i32 to index
        %swap3A_567 = arith.index_cast %multiple_of3A : i32 to index
        %swap3A_568 = tpu.vector_load %arg6[%swap3A_566, %swap3A_567] {strides = array<i32>} : memref<8x128xf32, #tpu.memory_space<vmem>>, vector<1x16xf32>,
        %swap3A_569 = vector.shape_cast %swap3A_568 : vector<1x16xf32> to vector<16xf32>
        %swap3A_570 = vector.shape_cast %scan3A_521#7 : vector<16xf32> to vector<1x16xf32>
        tpu.vector_store %arg6[%swap3A_566, %swap3A_567], %swap3A_570 {strides = array<i32>} : memref<8x128xf32, #tpu.memory_space<vmem>>, vector<1x16xf32>,
        %scan3A_571 = arith.constant 0 : i32
        scf.yield %scan3A_571 : i32
      }
      %scan3A_472 = arith.constant 8 : i32
      %scan3A_473 = arith.constant 0 : i32
      scf.yield %scan3A_473 : i32
    }
    %scan3A_427 = arith.constant 16 : i32
    "tpu.region"() ({
      %run_scoped3A = tpu.sem_alloc : memref<!tpu.dma_semaphore, #tpu.memory_space<semaphore_mem>>
      %dma_start3A_428 = arith.constant 0 : i32
      %dma_start3A_429 = tpu.memref_slice %arg3[%select_n3A, %dma_start3A_428, %mul3A_32] : memref<4x8x1024xf32, #tpu.memory_space<hbm>> -> memref<1x8x128xf32, #tpu.memory_space<hbm>>
      %dma_start3A_430 = tpu.memref_squeeze %dma_start3A_429 : memref<1x8x128xf32, #tpu.memory_space<hbm>> -> memref<8x128xf32, #tpu.memory_space<hbm>>
      %dma_start3A_431 = arith.constant 0 : i32
      %dma_start3A_432 = tpu.memref_slice %arg3[%select_n3A, %dma_start3A_431, %mul3A_32] : memref<4x8x1024xf32, #tpu.memory_space<hbm>> -> memref<1x8x128xf32, #tpu.memory_space<hbm>>
      %dma_start3A_433 = tpu.memref_squeeze %dma_start3A_432 : memref<1x8x128xf32, #tpu.memory_space<hbm>> -> memref<8x128xf32, #tpu.memory_space<hbm>>
      tpu.enqueue_dma source(%arg6 : memref<8x128xf32, #tpu.memory_space<vmem>>) target(%dma_start3A_433 : memref<8x128xf32, #tpu.memory_space<hbm>>) target_semaphore(%run_scoped3A : memref<!tpu.dma_semaphore, #tpu.memory_space<semaphore_mem>>)
      %dma_wait3A = arith.constant 0 : i32
      %dma_wait3A_434 = tpu.memref_slice %arg3[%select_n3A, %dma_wait3A, %mul3A_32] : memref<4x8x1024xf32, #tpu.memory_space<hbm>> -> memref<1x8x128xf32, #tpu.memory_space<hbm>>
      %dma_wait3A_435 = tpu.memref_squeeze %dma_wait3A_434 : memref<1x8x128xf32, #tpu.memory_space<hbm>> -> memref<8x128xf32, #tpu.memory_space<hbm>>
      %dma_wait3A_436 = arith.constant 0 : i32
      %dma_wait3A_437 = tpu.memref_slice %arg3[%select_n3A, %dma_wait3A_436, %mul3A_32] : memref<4x8x1024xf32, #tpu.memory_space<hbm>> -> memref<1x8x128xf32, #tpu.memory_space<hbm>>
      %dma_wait3A_438 = tpu.memref_squeeze %dma_wait3A_437 : memref<1x8x128xf32, #tpu.memory_space<hbm>> -> memref<8x128xf32, #tpu.memory_space<hbm>>
      tpu.wait_dma2 semaphore(%run_scoped3A : memref<!tpu.dma_semaphore, #tpu.memory_space<semaphore_mem>>) src(%arg6 : memref<8x128xf32, #tpu.memory_space<vmem>>) dst(%dma_wait3A_438 : memref<8x128xf32, #tpu.memory_space<hbm>>)
      tpu.yield
    }) : () -> ()
    return
  }
}

</mosaic_0001>

<sc_bundles>
// kernel: kernel.3.cloned.1.call-start
scs
__scs_entry_jumppad:
0x0: {  	(pc) =	sbr.rel $0x88, $3  }
0x1: {  	(tag) =	ssettag $0x0;
	lr =	simm.s32 $0x1  }
0x2: {  	[smem:$0x3FA0] =	sst lr;
	_ =	strace $0xD0000000  }
0x3: {  	_ = 	snop  }
0x4: {  	_ = 	snop  }
0x5: {  	_ = 	snop  }
0x6: {  	_ = 	snop  }
0x7: {  	_ = 	snop  }
__scs_overlays_trampoline_lowered:
0x8: {  	[smem:$0x3FAF] =	sst s0  }
0x9: {  	[smem:$0x3FB0] =	sst s1  }
0xa: {  	[smem:$0x3FB1] =	sst s2  }
0xb: {  	[smem:$0x3FB2] =	sst s3  }
0xc: {  	[smem:$0x3FB3] =	sst s4  }
0xd: {  	[smem:$0x3FB4] =	sst s5  }
0xe: {  	[smem:$0x3FB5] =	sst s6  }
0xf: {  	[smem:$0x3FB6] =	sst s7  }
0x10: {  	[smem:$0x3FB7] =	sst s8  }
0x11: {  	[smem:$0x3FB8] =	sst s9;
	s0 =	simm.s32 @!p0 $0x0  }
0x12: {  	s1 =	sld [smem:$0x3F9E];
	s0 =	simm.s32 @p0 $0x1  }
0x13: {  	[smem:$0x3FB9] =	sst s0;
	s0 =	simm.s32 @!p1 $0x0  }
0x14: {  	s2 =	sld [smem:$0x3F9D];
	s0 =	simm.s32 @p1 $0x1  }
0x15: {  	[smem:$0x3FBA] =	sst s0;
	s0 =	simm.s32 @!p2 $0x0  }
0x16: {  	s3 =	sld [smem:$0x3FDB];
	s0 =	simm.s32 @p2 $0x1  }
0x17: {  	s4 =	simm.s32 $0x1BF5;
	[smem:$0x3FBC] =	sst s0  }
0x18: {  	s0 =	sld [smem:$0x3F9F];
	_ =	swait.ge [sflag:s4], $0x0  }
0x19: {  	s7 =	sld [smem:$0x3FA0]  }
0x1a: {  	s8 =	sadd.s32 $0xFFFFE003, lr  }
0x1b: {  	s9 =	sadd.s32 $0xFFFFFEF7, lr;
	s5 =	simm.s32 $0xFFFFFFFF;
	p2 =	slt.u32 s8, $0xFFFFF086  }
0x1c: {  	p1 =	slt.u32 s9, $0xF7A;
	s5 =	simm.s32 @!p2 $0x0  }
0x1d: {  	s5 =	simm.s32 @p1 $0x1;
	p0 =	seq.s32 s7, s2  }
0x1e: {  	s7 =	smul.u32 @!p0 $0xF7A, s2;
	p2 =	seq.s32 @!p0 s5, $0x0  }
0x1f: {  	s9 =	smul.u32 $0xF7A, s1;
	s8 =	simm.s32 @!p0 $0x1BF5;
	p2 =	por !p2, p0  }
0x20: {  	[sflag:s8] =	ssyncset.s32 @!p0 $0xFFFFF086;
	s6 =	sadd.s32 @!p0 s3, s7;
	s7 =	simm.s32 @!p0 $0x108  }
0x21: {  	s3 =	sadd.s32 s3, s9;
	s6 =	sadd.s32 @!p0 $0x88, s6;
	s7 =	simm.s32 @p2 $0x1082  }
0x22: {  	[simem:s7], [sflag:s8] =	dma.local @!p0 [hbm:s6], $0xF7A  }
0x23: {  	s9 =	sor.u32 $0xD0000000, s2;
	s6 =	simm.s32 $0x108;
	_ =	swait.ge @!p0 [sflag:s8], $0x0  }
0x24: {  	s3 =	sadd.s32 $0x88, s3;
	s6 =	simm.s32 @!p1 $0x1082;
	[sflag:s4] =	ssyncset.s32 $0xFFFFF086  }
0x25: {  	[simem:s6], [sflag:s4] =	dma.local [hbm:s3], $0xF7A  }
0x26: {  	[smem:$0x3FA0] =	sst s1;
	(tag) =	ssettag s2;
	_ =	strace s9  }
0x27: {  	s1 =	sld [smem:$0x3FB0]  }
0x28: {  	s2 =	sld [smem:$0x3FB1]  }
0x29: {  	s4 =	sld [smem:$0x3FB3]  }
0x2a: {  	p0 =	seq.s32 s5, $0x0;
	s5 =	sld [smem:$0x3FB4]  }
0x2b: {  	s6 =	sld [smem:$0x3FB5]  }
0x2c: {  	s7 =	sld [smem:$0x3FB6]  }
0x2d: {  	s3 =	simm.s32 $0x108;
	s8 =	sld [smem:$0x3FB7]  }
0x2e: {  	s3 =	simm.s32 @!p0 $0x1082;
	s9 =	sld [smem:$0x3FB8]  }
0x2f: {  	lr =	sadd.s32 s0, s3;
	s0 =	sld [smem:$0x3FAF]  }
0x30: {  	s3 =	sld [smem:$0x3FB2]  }
0x31: {  	[smem:$0x3FBB] =	sst s10  }
0x32: {  	s10 =	sld [smem:$0x3FB9];
	_ =	sdelay $0x3  }
0x33: {  	p0 =	seq.s32 s10, $0x1;
	s10 =	sld [smem:$0x3FBB];
	_ =	sdelay $0x3  }
0x34: {  	[smem:$0x3FBB] =	sst s10  }
0x35: {  	s10 =	sld [smem:$0x3FBA];
	_ =	sdelay $0x3  }
0x36: {  	p1 =	seq.s32 s10, $0x1;
	s10 =	sld [smem:$0x3FBB];
	_ =	sdelay $0x3  }
0x37: {  	[smem:$0x3FBB] =	sst s10  }
0x38: {  	s10 =	sld [smem:$0x3FBC]  }
0x39: {  	_ = 	snop;
	(pc) =	sbr.ind lr, $3  }
0x3a: {  	_ = 	snop  }
0x3b: {  	_ = 	snop  }
0x3c: {  	p2 =	seq.s32 s10, $0x1;
	s10 =	sld [smem:$0x3FBB]  }
0x3d: {  	_ =	shalt  }
0x3e: {  	_ =	shalt  }
0x3f: {  	_ =	shalt  }
0x40: {  	_ =	shalt  }
0x41: {  	_ =	shalt  }
0x42: {  	_ =	shalt  }
0x43: {  	_ =	shalt  }
0x44: {  	_ =	shalt  }
0x45: {  	_ =	shalt  }
0x46: {  	_ =	shalt  }
0x47: {  	_ =	shalt  }
0x48: {  	_ =	shalt  }
0x49: {  	_ =	shalt  }
0x4a: {  	_ =	shalt  }
0x4b: {  	_ =	shalt  }
0x4c: {  	_ =	shalt  }
0x4d: {  	_ =	shalt  }
0x4e: {  	_ =	shalt  }
0x4f: {  	_ =	shalt  }
0x50: {  	_ =	shalt  }
0x51: {  	_ =	shalt  }
0x52: {  	_ =	shalt  }
0x53: {  	_ =	shalt  }
0x54: {  	_ =	shalt  }
0x55: {  	_ =	shalt  }
0x56: {  	_ =	shalt  }
0x57: {  	_ =	shalt  }
0x58: {  	_ =	shalt  }
0x59: {  	_ =	shalt  }
0x5a: {  	_ =	shalt  }
0x5b: {  	_ =	shalt  }
0x5c: {  	_ =	shalt  }
0x5d: {  	_ =	shalt  }
0x5e: {  	_ =	shalt  }
0x5f: {  	_ =	shalt  }
0x60: {  	_ =	shalt  }
0x61: {  	_ =	shalt  }
0x62: {  	_ =	shalt  }
0x63: {  	_ =	shalt  }
0x64: {  	_ =	shalt  }
0x65: {  	_ =	shalt  }
0x66: {  	_ =	shalt  }
0x67: {  	_ =	shalt  }
0x68: {  	_ =	shalt  }
0x69: {  	_ =	shalt  }
0x6a: {  	_ =	shalt  }
0x6b: {  	_ =	shalt  }
0x6c: {  	_ =	shalt  }
0x6d: {  	_ =	shalt  }
0x6e: {  	_ =	shalt  }
0x6f: {  	_ =	shalt  }
0x70: {  	_ =	shalt  }
0x71: {  	_ =	shalt  }
0x72: {  	_ =	shalt  }
0x73: {  	_ =	shalt  }
0x74: {  	_ =	shalt  }
0x75: {  	_ =	shalt  }
0x76: {  	_ =	shalt  }
0x77: {  	_ =	shalt  }
0x78: {  	_ =	shalt  }
0x79: {  	_ =	shalt  }
0x7a: {  	_ =	shalt  }
0x7b: {  	_ =	shalt  }
0x7c: {  	_ =	shalt  }
0x7d: {  	_ =	shalt  }
0x7e: {  	_ =	shalt  }
0x7f: {  	_ =	shalt  }
0x80: {  	_ =	shalt  }
0x81: {  	_ =	shalt  }
0x82: {  	_ =	shalt  }
0x83: {  	_ =	shalt  }
0x84: {  	_ =	shalt  }
0x85: {  	_ =	shalt  }
0x86: {  	_ =	shalt  }
0x87: {  	_ =	shalt  }
.Lfunc_end0:
.L_simem_size_0:
called_computation_lowered:
.L_overlay_start_0:
0x88: {  	s2 =	sld [smem:$0x3FD9]  }
0x89: {  	s3 =	sld [smem:$0x3FFE];
	_ =	sdelay $0x1  }
0x8a: {  	s1 =	srdreg.scid  }
0x8b: {  	s0 =	sand.u32 $0x1, s1  }
0x8c: {  	s17 =	sshll.u32 s0, $0xA;
	s2 =	sadd.s32 s3, s2  }
0x8d: {  	s2 =	sadd.s32 s2, s17  }
0x8e: {  	[smem:$0x3FC7] =	sst s2  }
0x8f: {  	_ = 	snop  }
0x90: {  	s2 =	sld [smem:$0x3FD0];
	(tm) =	ssettm $0x1  }
0x91: {  	s18 =	sld [smem:$0x3FFB];
	_ =	sdelay $0x3  }
0x92: {  	_ =	strace s18  }
0x93: {  	s3 =	sld [smem:$0x3FFC];
	_ =	sdelay $0x3  }
0x94: {  	_ =	strace s3  }
0x95: {  	s3 =	sld [smem:$0x3FFD];
	_ =	sdelay $0x3  }
0x96: {  	_ =	strace s3  }
0x97: {  	_ =	strace $0x8FFFFFFF  }
0x98: {  	s19 =	sld [smem:$0x3FDB];
	_ =	sdelay $0x1  }
0x99: {  	s4 =	simm.s32 $_scs_section_size  }
0x9a: {  	s5 =	simm.s32 $_size__tile_overlayer_lowered;
	s6 =	simm.s32 $_tile_overlayer_lowered  }
0x9b: {  	s22 =	simm.s32 $0x1BFF;
	s21 =	sshll.u32 s6, $0x1;
	s3 =	sadd.s32 s4, s19  }
0x9c: {  	s7 =	simm.s32 $0x0;
	s20 =	sshll.u32 s5, $0x1;
	s5 =	sadd.s32 s21, s3  }
0x9d: {  	[timem:s7], [sflag:s22] =	dma.local [hbm:s5], s20  }
0x9e: {  	_ =	swait.ge [sflag:s22], s20  }
0x9f: {  	s4 =	ssub.s32 $0x0, s20;
	[sflag:s22] =	ssyncset.done $0x0  }
0xa0: {  	[sflag:s22] =	ssyncadd.s32 s4;
	_ =	sdelay $0x1  }
0xa1: {  	s23 =	simm.s32 $0x1B8B  }
0xa2: {  	_ =	swait.ge [sflag:s23], $0x1  }
0xa3: {  	[sflag:s23] =	ssyncset.done $0x0  }
0xa4: {  	s25 =	simm.s32 $0x1B8E;
	s24 =	sld [smem:$0x3FFE];
	[sflag:s23] =	ssyncadd.s32 $0xFFFFFFFF  }
0xa5: {  	s26 =	simm.s32 $execute0_lowered;
	[smem:$0x3FD2] =	sst s25  }
0xa6: {  	s5 =	sshll.u32 s26, $0x1;
	_ =	strace $0x80000046;
	[dreg:$0x1] =	wrdreg $0xFFFFFFFF  }
0xa7: {  	s28 =	simm.s32 $_size_execute0_lowered;
	s3 =	sadd.s32 s3, s5;
	[dreg:$0x0] =	wrdreg $0x0  }
0xa8: {  	s5 =	sshll.u32 s28, $0x1;
	[dreg:$0x2] =	wrdreg s3  }
0xa9: {  	[dreg:$0x3] =	wrdreg s5  }
0xaa: {  	[dreg:$0x4] =	wrdreg $0xC0  }
0xab: {  	_ =	task [dreg:s7], $0x5FFFF  }
0xac: {  	[dreg:$0x1] =	wrdreg $0xFFFFFFFF  }
0xad: {  	[dreg:$0x0] =	wrdreg $0x60  }
0xae: {  	[dreg:$0x2] =	wrdreg s24  }
0xaf: {  	[dreg:$0x3] =	wrdreg s2  }
0xb0: {  	[dreg:$0x4] =	wrdreg $0x9  }
0xb1: {  	_ =	task.clear_ibuf [dreg:s7], $0x5FFFF;
	_ =	strace $0x90000046  }
0xb2: {  	s29 =	simm.s32 $0x9;
	_ =	strace $0x80000048  }
0xb3: {  	_ =	swait.ge [sflag:s29], $0x1  }
0xb4: {  	[sflag:s29] =	ssyncadd.s32 $0xFFFFFFFF  }
0xb5: {  	_ =	strace $0x90000048  }
0xb6: {  	_ =	sfence  }
0xb7: {  	s30 =	sld [smem:$0x0];
	_ =	sdelay $0x2  }
0xb8: {  	s31 =	sshll.u32 s1, $0xD;
	s1 =	sshrl.u32 s1, $0x2  }
0xb9: {  	s3 =	sand.u32 $0x4000, s31;
	s1 =	sadd.s32 s1, s30  }
0xba: {  	s0 =	sor.u32 s3, s0;
	s1 =	sshll.u32 s1, $0x11  }
0xbb: {  	s0 =	sor.u32 s1, s0  }
0xbc: {  	s0 =	sadd.s32 $0x8F2B, s0  }
0xbd: {  	[sflag:s0] =	ssyncadd.remote.s32 $0x1  }
0xbe: {  	_ =	sfence.sel $0xFFFF  }
0xbf: {  	[dreg:$0x0] =	wrdreg $0xFFFFFFFF;
	(pc) =	sbr.abs _section_cstart, $3  }
0xc0: {  	[dreg:$0x1] =	wrdreg $0xFFFFFFFF  }
0xc1: {  	_ =	task.clear_ibuf [dreg:s7], $0x2FFFF;
	_ =	strace $0x9FFFFFFF  }
0xc2: {  	(tm) =	ssettm $0x7FFFFFFF  }
0xc3: {  	_ =	shalt  }
tec
execute0_lowered:
.L_overlay_start_1:
0x0: {  	(tag) =	ssettag $0x1  }
0x1: {  	s3 =	rddreg [dreg:$0x0]  }
0x2: {  	s7 =	rddreg [dreg:$0x1]  }
0x3: {  	s0 =	rddreg [dreg:$0x2]  }
0x4: {  	s2 =	simm.s32 $0x0;
	s1 =	stileid.u32;
	s4 =	srdreg.scid  }
0x5: {  	s11 =	simm.s32 $0x1;
	s12 =	simm.s32 $0x8000;
	s13 =	simm.s32 $0x2  }
0x6: {  	s14 =	simm.s32 $0x10000;
	s15 =	simm.s32 $0x3;
	s16 =	simm.s32 $0x0  }
0x7: {  	[smem:$0x7FF] =	sst s2;
	s5 =	sshll.u32 s1, $0x1;
	s3 =	sadd.s32 $0x400400, s3  }
0x8: {  	s4 =	sand.u32 $0x1, s4;
	s8 =	sshrl.u32 s1, $0x2;
	_ =	strace $0x80000047  }
0x9: {  	s5 =	sand.u32 $0x6, s5;
	s6 =	ssub.s32 $0x2, s4;
	s28 =	sshll.u32 s8, $0x17  }
0xa: {  	s8 =	sshll.u32 s8, $0xD;
	s4 =	sor.u32 s4, s5;
	s10 =	sshrl.u32 s6, $0x1  }
0xb: {  	s9 =	sshll.u32 s4, $0xA;
	s30 =	ssub.s32 s6, s10;
	s10 =	simm.s32 $0x2000  }
0xc: {  	s4 =	sor.u32 s28, s9;
	s29 =	sor.u32 s8, s9;
	s8 =	smax.u32 s30, $0x1  }
0xd: {  	s31 =	sshrl.u32 s4, $0x3;
	s9 =	sshrl.u32 s29, $0x3;
	s6 =	sor.u32 $0x80000, s4  }
0xe: {  	v0 =	vimm.f32 $-Inf;
	s5 =	sadd.s32 s3, s31;
	s7 =	sadd.s32 s7, s9;
	s9 =	simm.s32 $0x400  }
.LBB2_1:
0xf: {  	[tilespmem:$0x10000] =	vst v0  }
0x10: {  	[tilespmem:$0x10010] =	vst v0  }
0x11: {  	[tilespmem:$0x10020] =	vst v0  }
0x12: {  	[tilespmem:$0x10030] =	vst v0  }
0x13: {  	[tilespmem:$0x10040] =	vst v0  }
0x14: {  	[tilespmem:$0x10050] =	vst v0  }
0x15: {  	[tilespmem:$0x10060] =	vst v0  }
0x16: {  	[tilespmem:$0x10070] =	vst v0  }
0x17: {  	[tilespmem:$0x10080] =	vst v0  }
0x18: {  	[tilespmem:$0x10090] =	vst v0  }
0x19: {  	[tilespmem:$0x100A0] =	vst v0  }
0x1a: {  	[tilespmem:$0x100B0] =	vst v0  }
0x1b: {  	[tilespmem:$0x100C0] =	vst v0  }
0x1c: {  	[tilespmem:$0x100D0] =	vst v0  }
0x1d: {  	[tilespmem:$0x100E0] =	vst v0  }
0x1e: {  	[tilespmem:$0x100F0] =	vst v0  }
0x1f: {  	[tilespmem:$0x10100] =	vst v0  }
0x20: {  	[tilespmem:$0x10110] =	vst v0  }
0x21: {  	[tilespmem:$0x10120] =	vst v0  }
0x22: {  	[tilespmem:$0x10130] =	vst v0  }
0x23: {  	[tilespmem:$0x10140] =	vst v0  }
0x24: {  	[tilespmem:$0x10150] =	vst v0  }
0x25: {  	[tilespmem:$0x10160] =	vst v0  }
0x26: {  	[tilespmem:$0x10170] =	vst v0  }
0x27: {  	[tilespmem:$0x10180] =	vst v0  }
0x28: {  	[tilespmem:$0x10190] =	vst v0  }
0x29: {  	[tilespmem:$0x101A0] =	vst v0  }
0x2a: {  	[tilespmem:$0x101B0] =	vst v0  }
0x2b: {  	[tilespmem:$0x101C0] =	vst v0  }
0x2c: {  	[tilespmem:$0x101D0] =	vst v0  }
0x2d: {  	[tilespmem:$0x101E0] =	vst v0  }
0x2e: {  	[tilespmem:$0x101F0] =	vst v0  }
0x2f: {  	[tilespmem:$0x10200] =	vst v0  }
0x30: {  	[tilespmem:$0x10210] =	vst v0  }
0x31: {  	[tilespmem:$0x10220] =	vst v0  }
0x32: {  	[tilespmem:$0x10230] =	vst v0  }
0x33: {  	[tilespmem:$0x10240] =	vst v0  }
0x34: {  	[tilespmem:$0x10250] =	vst v0  }
0x35: {  	[tilespmem:$0x10260] =	vst v0  }
0x36: {  	[tilespmem:$0x10270] =	vst v0  }
0x37: {  	[tilespmem:$0x10280] =	vst v0  }
0x38: {  	[tilespmem:$0x10290] =	vst v0  }
0x39: {  	[tilespmem:$0x102A0] =	vst v0  }
0x3a: {  	[tilespmem:$0x102B0] =	vst v0  }
0x3b: {  	[tilespmem:$0x102C0] =	vst v0  }
0x3c: {  	[tilespmem:$0x102D0] =	vst v0  }
0x3d: {  	[tilespmem:$0x102E0] =	vst v0  }
0x3e: {  	[tilespmem:$0x102F0] =	vst v0  }
0x3f: {  	[tilespmem:$0x10300] =	vst v0  }
0x40: {  	[tilespmem:$0x10310] =	vst v0  }
0x41: {  	[tilespmem:$0x10320] =	vst v0  }
0x42: {  	[tilespmem:$0x10330] =	vst v0  }
0x43: {  	[tilespmem:$0x10340] =	vst v0  }
0x44: {  	[tilespmem:$0x10350] =	vst v0  }
0x45: {  	[tilespmem:$0x10360] =	vst v0  }
0x46: {  	[tilespmem:$0x10370] =	vst v0  }
0x47: {  	[tilespmem:$0x10380] =	vst v0  }
0x48: {  	[tilespmem:$0x10390] =	vst v0  }
0x49: {  	[tilespmem:$0x103A0] =	vst v0  }
0x4a: {  	[tilespmem:$0x103B0] =	vst v0  }
0x4b: {  	[tilespmem:$0x103C0] =	vst v0  }
0x4c: {  	[tilespmem:$0x103D0] =	vst v0  }
0x4d: {  	[tilespmem:$0x103E0] =	vst v0  }
0x4e: {  	[tilespmem:$0x103F0] =	vst v0;
	s17 =	simm.s32 $0x0  }
0x4f: {  	[tilespmem:s2], [sflag:$0x1] =	stream.strided.gather [hbm4b:s5+s9], $0x8000, s10, s9, $0x38;
	[tilespmem:$0x10400] =	vst v63  }
.LBB2_2:
0x50: {  	s18 =	sshll.u32 s17, $0x13  }
0x51: {  	s19 =	sor.u32 s18, s4  }
0x52: {  	_ =	swait.ge [sflag:s11], $0x8000;
	s19 =	sshrl.u32 s19, $0x3  }
0x53: {  	[sflag:s11] =	ssyncset.done $0x0;
	s19 =	sor.u32 $0x8000, s19  }
0x54: {  	[sflag:s11] =	ssyncadd.s32 $0xFFFF8000;
	s20 =	sadd.s32 s3, s19;
	s19 =	simm.s32 $0x400  }
0x55: {  	[tilespmem:s12], [sflag:$0x2] =	stream.strided.gather [hbm4b:s20+s19], $0x8000, s10, s19, $0x38;
	[tilespmem:$0x10400] =	vst v63  }
0x56: {  	s20 =	simm.s32 $0x0  }
.LBB2_3:
0x57: {  	v1 =	vld [tilespmem:s19+$0x0]  }
0x58: {  	v2 =	vld [tilespmem:s19+$0x80]  }
0x59: {  	v3 =	vld [tilespmem:s19+$0x100]  }
0x5a: {  	v4 =	vld [tilespmem:s19+$0x180]  }
0x5b: {  	v5 =	vld [tilespmem:s19+$0x200]  }
0x5c: {  	v6 =	vld [tilespmem:s19+$0x280]  }
0x5d: {  	v7 =	vld [tilespmem:s19+$0x300]  }
0x5e: {  	v8 =	vld [tilespmem:s19+$0x380]  }
0x5f: {  	v9 =	vld [tilespmem:s19+$0xFFFFFC00]  }
0x60: {  	v10 =	vld [tilespmem:s19+$0xFFFFFC80]  }
0x61: {  	v11 =	vld [tilespmem:s19+$0xFFFFFD00]  }
0x62: {  	v12 =	vld [tilespmem:s19+$0xFFFFFD80]  }
0x63: {  	v13 =	vld [tilespmem:s19+$0xFFFFFE00]  }
0x64: {  	v14 =	vld [tilespmem:s19+$0xFFFFFE80]  }
0x65: {  	v15 =	vld [tilespmem:s19+$0xFFFFFF00]  }
0x66: {  	v16 =	vld [tilespmem:s19+$0xFFFFFF80]  }
0x67: {  	v17 =	vmax.f32 v1, v2;
	v1 =	vmin.f32 v1, v2;
	v2 =	vmax.f32 v3, v4  }
0x68: {  	v3 =	vmin.f32 v3, v4;
	v4 =	vmax.f32 v5, v6;
	v5 =	vmin.f32 v5, v6  }
0x69: {  	v6 =	vmax.f32 v9, v10;
	v18 =	vmax.f32 v7, v8;
	v7 =	vmin.f32 v7, v8  }
0x6a: {  	v8 =	vmin.f32 v9, v10;
	v9 =	vmax.f32 v11, v12;
	v10 =	vmin.f32 v11, v12  }
0x6b: {  	v11 =	vmax.f32 v13, v14;
	v12 =	vmin.f32 v13, v14;
	v13 =	vmax.f32 v15, v16  }
0x6c: {  	v14 =	vmin.f32 v15, v16;
	v15 =	vmax.f32 v17, v2;
	v16 =	vmin.f32 v1, v3  }
0x6d: {  	v17 =	vmin.f32 v17, v2;
	v2 =	vmax.f32 v4, v18;
	v19 =	vmin.f32 v5, v7  }
0x6e: {  	v3 =	vmax.f32 v1, v3;
	v4 =	vmin.f32 v4, v18;
	v5 =	vmax.f32 v5, v7  }
0x6f: {  	v7 =	vmax.f32 v6, v9;
	v18 =	vmin.f32 v8, v10;
	v20 =	vmax.f32 v11, v13  }
0x70: {  	v6 =	vmin.f32 v6, v9;
	v8 =	vmax.f32 v8, v10;
	v9 =	vmin.f32 v12, v14  }
0x71: {  	v10 =	vmin.f32 v11, v13;
	v11 =	vmax.f32 v12, v14;
	v1 =	vmax.f32 v15, v2  }
0x72: {  	v12 =	vmin.f32 v15, v2;
	v13 =	vmax.f32 v16, v19;
	v2 =	vmin.f32 v16, v19  }
0x73: {  	v14 =	vmax.f32 v3, v17;
	v3 =	vmin.f32 v3, v17;
	v15 =	vmax.f32 v5, v4  }
0x74: {  	v16 =	vmax.f32 v7, v20;
	v17 =	vmin.f32 v18, v9;
	v4 =	vmin.f32 v5, v4  }
0x75: {  	v5 =	vmax.f32 v8, v6;
	v7 =	vmin.f32 v7, v20;
	v9 =	vmax.f32 v18, v9  }
0x76: {  	s21 =	sshll.u32 s20, $0x4;
	v6 =	vmin.f32 v8, v6;
	v8 =	vmax.f32 v11, v10;
	v10 =	vmin.f32 v11, v10  }
0x77: {  	v62 =	vld [tilespmem:s21+$0x10100];
	v19 =	vmax.f32 v14, v15;
	v14 =	vmin.f32 v14, v15;
	v15 =	vmin.f32 v3, v4  }
0x78: {  	v18 =	vld [tilespmem:s21+$0x10000];
	v21 =	vmax.f32 v5, v8;
	v22 =	vmin.f32 v6, v10;
	v3 =	vmax.f32 v3, v4  }
0x79: {  	v11 =	vld [tilespmem:s21+$0x10080];
	v5 =	vmin.f32 v5, v8;
	v6 =	vmax.f32 v6, v10;
	v8 =	vmax.f32 v3, v12  }
0x7a: {  	v4 =	vld [tilespmem:s21+$0x10180];
	v12 =	vmin.f32 v3, v12;
	v23 =	vmax.f32 v13, v14;
	v13 =	vmin.f32 v13, v14  }
0x7b: {  	v10 =	vld [tilespmem:s21+$0x10200];
	v24 =	vmax.f32 v6, v7;
	v25 =	vmin.f32 v6, v7;
	v26 =	vmax.f32 v9, v5  }
0x7c: {  	v14 =	vld [tilespmem:s21+$0x10380];
	v28 =	vmin.f32 v9, v5;
	v3 =	vmax.f32 v19, v8;
	v5 =	vmin.f32 v19, v8  }
0x7d: {  	v27 =	vld [tilespmem:s21+$0x10280];
	v6 =	vmax.f32 v23, v12;
	v7 =	vmin.f32 v23, v12;
	v8 =	vmax.f32 v13, v15  }
0x7e: {  	v19 =	vld [tilespmem:s21+$0x10300];
	v12 =	vmax.f32 v21, v24;
	v21 =	vmin.f32 v21, v24;
	v9 =	vmin.f32 v13, v15  }
0x7f: {  	v13 =	vmax.f32 v26, v25;
	v63 =	vmax.f32 v28, v22;
	v22 =	vmin.f32 v28, v22  }
0x80: {  	v15 =	vmin.f32 v26, v25;
	v17 =	vmax.f32 v18, v17;
	v11 =	vmax.f32 v11, v22  }
0x81: {  	v15 =	vmax.f32 v4, v15;
	v4 =	vmax.f32 v10, v13;
	v18 =	vmax.f32 v14, v16  }
0x82: {  	v14 =	vmax.f32 v62, v63;
	v16 =	vmax.f32 v27, v21;
	v10 =	vmin.f32 v17, v4  }
0x83: {  	v19 =	vmax.f32 v19, v12;
	v12 =	vmax.f32 v17, v4;
	v13 =	vmax.f32 v11, v16  }
0x84: {  	v4 =	vmin.f32 v11, v16;
	v17 =	vmax.f32 v15, v18;
	v16 =	vmax.f32 v14, v19  }
0x85: {  	s22 =	simm.s32 $0x0;
	s23 =	sadd.s32 $0x800, s19;
	v15 =	vmin.f32 v15, v18;
	v14 =	vmin.f32 v14, v19;
	v11 =	vmax.f32 v12, v16  }
.LBB2_4:
0x86: {  	v18 =	vld [tilespmem:s23+$0x0];
	v12 =	vmin.f32 v12, v16;
	v16 =	vmax.f32 v13, v17;
	v13 =	vmin.f32 v13, v17  }
0x87: {  	v19 =	vmax.f32 v10, v14;
	v10 =	vmin.f32 v10, v14;
	v14 =	vmax.f32 v4, v15;
	v17 =	vld [tilespmem:s23+$0x80]  }
0x88: {  	v4 =	vmin.f32 v4, v15;
	v15 =	vmax.f32 v11, v16;
	v11 =	vmin.f32 v11, v16;
	v20 =	vld [tilespmem:s23+$0x100]  }
0x89: {  	v21 =	vmax.f32 v12, v13;
	v12 =	vmin.f32 v12, v13;
	v13 =	vmax.f32 v19, v14;
	v16 =	vld [tilespmem:s23+$0x180]  }
0x8a: {  	v14 =	vmin.f32 v19, v14;
	v19 =	vmax.f32 v10, v4;
	v4 =	vmin.f32 v10, v4;
	v22 =	vld [tilespmem:s23+$0x200]  }
0x8b: {  	v2 =	vmax.f32 v15, v2;
	v9 =	vmax.f32 v11, v9;
	v8 =	vmax.f32 v21, v8;
	v10 =	vld [tilespmem:s23+$0x280]  }
0x8c: {  	v7 =	vmax.f32 v12, v7;
	v6 =	vmax.f32 v13, v6;
	v5 =	vmax.f32 v14, v5;
	v11 =	vld [tilespmem:s23+$0x300]  }
0x8d: {  	v3 =	vmax.f32 v19, v3;
	v1 =	vmax.f32 v4, v1;
	v13 =	vmin.f32 v2, v6;
	v12 =	vld [tilespmem:s23+$0x380]  }
0x8e: {  	v15 =	vmin.f32 v9, v5;
	v19 =	vmin.f32 v8, v3;
	v21 =	vmin.f32 v7, v1;
	v14 =	vld [tilespmem:s23+$0xFFFFFC00]  }
0x8f: {  	v2 =	vmax.f32 v2, v6;
	v6 =	vmin.f32 v13, v19;
	v24 =	vmin.f32 v15, v21;
	v23 =	vld [tilespmem:s23+$0xFFFFFC80]  }
0x90: {  	v5 =	vmax.f32 v9, v5;
	v3 =	vmax.f32 v8, v3;
	v4 =	vmin.f32 v6, v24;
	v25 =	vld [tilespmem:s23+$0xFFFFFD00]  }
0x91: {  	v1 =	vmax.f32 v7, v1;
	v7 =	vmax.f32 v2, v3;
	v2 =	vmin.f32 v2, v3;
	v8 =	vld [tilespmem:s23+$0xFFFFFD80]  }
0x92: {  	v9 =	vmax.f32 v5, v1;
	v1 =	vmin.f32 v5, v1;
	v5 =	vmax.f32 v13, v19;
	v3 =	vld [tilespmem:s23+$0xFFFFFE00]  }
0x93: {  	v15 =	vmax.f32 v15, v21;
	v19 =	vmax.f32 v7, v9;
	v21 =	vmin.f32 v7, v9;
	v13 =	vld [tilespmem:s23+$0xFFFFFE80]  }
0x94: {  	v26 =	vmax.f32 v2, v1;
	v27 =	vmin.f32 v2, v1;
	v28 =	vmax.f32 v5, v15;
	v7 =	vld [tilespmem:s23+$0xFFFFFF00]  }
0x95: {  	v15 =	vmin.f32 v5, v15;
	v24 =	vmax.f32 v6, v24;
	v1 =	vld [tilespmem:s23+$0xFFFFFF80]  }
0x96: {  	v2 =	vmax.f32 v18, v17;
	v5 =	vmin.f32 v18, v17;
	v6 =	vmax.f32 v20, v16  }
0x97: {  	v9 =	vmin.f32 v20, v16;
	v16 =	vmax.f32 v22, v10;
	v10 =	vmin.f32 v22, v10  }
0x98: {  	v18 =	vmax.f32 v11, v12;
	v11 =	vmin.f32 v11, v12;
	v17 =	vmax.f32 v14, v23  }
0x99: {  	v12 =	vmin.f32 v14, v23;
	v14 =	vmax.f32 v25, v8;
	v8 =	vmin.f32 v25, v8  }
0x9a: {  	v20 =	vmax.f32 v3, v13;
	v3 =	vmin.f32 v3, v13;
	v13 =	vmax.f32 v7, v1  }
0x9b: {  	v22 =	vmin.f32 v5, v9;
	v1 =	vmin.f32 v7, v1;
	v7 =	vmax.f32 v2, v6  }
0x9c: {  	v23 =	vmin.f32 v10, v11;
	v6 =	vmin.f32 v2, v6;
	v2 =	vmax.f32 v16, v18  }
0x9d: {  	v5 =	vmax.f32 v5, v9;
	v9 =	vmin.f32 v16, v18;
	v10 =	vmax.f32 v10, v11  }
0x9e: {  	v11 =	vmax.f32 v17, v14;
	v16 =	vmin.f32 v12, v8;
	v18 =	vmax.f32 v20, v13  }
0x9f: {  	v14 =	vmin.f32 v17, v14;
	v8 =	vmax.f32 v12, v8;
	v12 =	vmin.f32 v3, v1  }
0xa0: {  	v13 =	vmin.f32 v20, v13;
	v3 =	vmax.f32 v3, v1;
	v1 =	vmax.f32 v7, v2  }
0xa1: {  	v17 =	vmax.f32 v22, v23;
	v7 =	vmin.f32 v7, v2;
	v2 =	vmin.f32 v22, v23  }
0xa2: {  	v20 =	vmax.f32 v5, v6;
	v5 =	vmin.f32 v5, v6;
	v6 =	vmax.f32 v10, v9  }
0xa3: {  	v9 =	vmin.f32 v10, v9;
	v22 =	vmax.f32 v11, v18;
	v23 =	vmin.f32 v16, v12  }
0xa4: {  	v10 =	vmax.f32 v8, v14;
	v11 =	vmin.f32 v11, v18;
	v12 =	vmax.f32 v16, v12  }
0xa5: {  	v8 =	vmin.f32 v8, v14;
	v14 =	vmax.f32 v3, v13;
	v3 =	vmin.f32 v3, v13  }
0xa6: {  	v13 =	vmax.f32 v20, v6;
	v6 =	vmin.f32 v20, v6;
	v16 =	vmin.f32 v5, v9  }
0xa7: {  	v5 =	vmax.f32 v5, v9;
	v18 =	vmax.f32 v10, v14;
	v20 =	vmin.f32 v8, v3  }
0xa8: {  	v9 =	vmin.f32 v10, v14;
	v3 =	vmax.f32 v8, v3;
	v8 =	vmax.f32 v5, v7  }
0xa9: {  	v7 =	vmin.f32 v5, v7;
	v10 =	vmax.f32 v17, v6;
	v14 =	vmin.f32 v17, v6  }
0xaa: {  	v17 =	vmax.f32 v3, v11;
	v11 =	vmin.f32 v3, v11;
	v25 =	vmax.f32 v12, v9  }
0xab: {  	v12 =	vmin.f32 v12, v9;
	v3 =	vmax.f32 v13, v8;
	v5 =	vmin.f32 v13, v8  }
0xac: {  	v6 =	vmax.f32 v10, v7;
	v7 =	vmin.f32 v10, v7;
	v8 =	vmax.f32 v14, v16  }
0xad: {  	s22 =	sadd.s32 $0x2, s22;
	v9 =	vmin.f32 v14, v16;
	v10 =	vmax.f32 v18, v17;
	v13 =	vmin.f32 v18, v17  }
0xae: {  	p0 =	slt.u32 s22, $0x1E;
	v14 =	vmax.f32 v25, v11;
	v11 =	vmin.f32 v25, v11;
	v16 =	vmax.f32 v12, v20  }
0xaf: {  	v12 =	vmin.f32 v12, v20;
	v17 =	vmax.f32 v19, v23;
	v18 =	vmax.f32 v4, v22  }
.Ltmp0:
0xb0: {  	v4 =	vmax.f32 v21, v12;
	v19 =	vmax.f32 v26, v16;
	v11 =	vmax.f32 v27, v11;
	(pc) =	sbr.rel @p0 .LBB2_4-.Ltmp0, $4  }
0xb1: {  	v14 =	vmax.f32 v28, v14;
	v15 =	vmax.f32 v15, v13;
	v20 =	vmax.f32 v24, v10  }
0xb2: {  	v12 =	vmax.f32 v17, v14;
	v10 =	vmin.f32 v17, v14;
	v13 =	vmax.f32 v4, v15  }
0xb3: {  	v4 =	vmin.f32 v4, v15;
	v16 =	vmax.f32 v19, v20;
	v14 =	vmin.f32 v19, v20  }
0xb4: {  	s23 =	sadd.s32 $0x800, s23;
	v17 =	vmax.f32 v11, v18;
	v15 =	vmin.f32 v11, v18;
	v11 =	vmax.f32 v12, v16  }
0xb5: {  	v12 =	vmin.f32 v12, v16;
	v40 =	vmax.f32 v13, v17;
	v41 =	vmin.f32 v13, v17  }
0xb6: {  	v42 =	vmax.f32 v10, v14;
	v43 =	vmin.f32 v10, v14;
	v44 =	vmax.f32 v4, v15  }
0xb7: {  	v45 =	vmin.f32 v4, v15;
	v46 =	vmax.f32 v11, v40;
	v47 =	vmin.f32 v11, v40  }
0xb8: {  	v48 =	vmax.f32 v12, v41;
	v12 =	vmin.f32 v12, v41;
	v49 =	vmax.f32 v42, v44  }
0xb9: {  	v14 =	vmin.f32 v42, v44;
	v50 =	vmax.f32 v43, v45;
	v4 =	vmin.f32 v43, v45  }
0xba: {  	v2 =	vmax.f32 v46, v2;
	v9 =	vmax.f32 v47, v9;
	v8 =	vmax.f32 v48, v8  }
0xbb: {  	v7 =	vmax.f32 v12, v7;
	v6 =	vmax.f32 v49, v6;
	v5 =	vmax.f32 v14, v5  }
0xbc: {  	v3 =	vmax.f32 v50, v3;
	v1 =	vmax.f32 v4, v1;
	v51 =	vmax.f32 v2, v6  }
0xbd: {  	v52 =	vmax.f32 v9, v5;
	v53 =	vmax.f32 v8, v3;
	v12 =	vmax.f32 v7, v1  }
0xbe: {  	v54 =	vmax.f32 v51, v53;
	v55 =	vmax.f32 v52, v12  }
0xbf: {  	v2 =	vmin.f32 v2, v6;
	v5 =	vmin.f32 v9, v5;
	v56 =	vmax.f32 v54, v55  }
0xc0: {  	v4 =	vmin.f32 v51, v53;
	v57 =	vmin.f32 v52, v12;
	v58 =	vmin.f32 v54, v55;
	[tilespmem:s21+$0x10000] =	vst v56  }
0xc1: {  	s20 =	sadd.s32 $0x1, s20;
	v3 =	vmin.f32 v8, v3;
	v1 =	vmin.f32 v7, v1;
	v59 =	vmax.f32 v4, v57;
	[tilespmem:s21+$0x10080] =	vst v58  }
0xc2: {  	p0 =	sne.s32 s20, $0x8;
	v60 =	vmax.f32 v2, v3;
	v61 =	vmax.f32 v5, v1;
	v4 =	vmin.f32 v4, v57;
	[tilespmem:s21+$0x10100] =	vst v59  }
.Ltmp1:
0xc3: {  	v62 =	vmax.f32 v60, v61;
	[tilespmem:s21+$0x10180] =	vst v4;
	(pc) =	sbr.rel @p0 .LBB2_3-.Ltmp1, $4  }
0xc4: {  	v2 =	vmin.f32 v2, v3;
	v1 =	vmin.f32 v5, v1;
	v3 =	vmin.f32 v60, v61;
	[tilespmem:s21+$0x10200] =	vst v62  }
0xc5: {  	v63 =	vmax.f32 v2, v1;
	[tilespmem:s21+$0x10280] =	vst v3  }
0xc6: {  	v1 =	vmin.f32 v2, v1;
	[tilespmem:s21+$0x10300] =	vst v63  }
0xc7: {  	s19 =	sadd.s32 $0x10, s19;
	[tilespmem:s21+$0x10380] =	vst v1  }
0xc8: {  	p0 =	seq.s32 s17, $0xF;
	_ =	swait.ge [sflag:s13], $0x8000  }
0xc9: {  	s18 =	sadd.s32 @!p0 s18, s6;
	[sflag:s13] =	ssyncset.done $0x0  }
0xca: {  	s19 =	simm.s32 @!p0 $0x400;
	s20 =	simm.s32 @!p0 $0x2000;
	s18 =	sshrl.u32 @!p0 s18, $0x3  }
0xcb: {  	s21 =	simm.s32 @!p0 $0x0;
	[sflag:s13] =	ssyncadd.s32 $0xFFFF8000;
	s18 =	sadd.s32 @!p0 s3, s18  }
0xcc: {  	[tilespmem:s21], [sflag:$0x1] =	stream.strided.gather @!p0 [hbm4b:s18+s19], $0x8000, s20, s19, $0x38;
	[tilespmem:$0x10400] =	vst v63  }
0xcd: {  	s18 =	simm.s32 $0x0;
	s19 =	simm.s32 $0x8400  }
.LBB2_7:
0xce: {  	v1 =	vld [tilespmem:s19+$0x0]  }
0xcf: {  	v2 =	vld [tilespmem:s19+$0x80]  }
0xd0: {  	v3 =	vld [tilespmem:s19+$0x100]  }
0xd1: {  	v4 =	vld [tilespmem:s19+$0x180]  }
0xd2: {  	v5 =	vld [tilespmem:s19+$0x200]  }
0xd3: {  	v6 =	vld [tilespmem:s19+$0x280]  }
0xd4: {  	v7 =	vld [tilespmem:s19+$0x300]  }
0xd5: {  	v8 =	vld [tilespmem:s19+$0x380]  }
0xd6: {  	v9 =	vld [tilespmem:s19+$0xFFFFFC00]  }
0xd7: {  	v10 =	vld [tilespmem:s19+$0xFFFFFC80]  }
0xd8: {  	v11 =	vld [tilespmem:s19+$0xFFFFFD00]  }
0xd9: {  	v12 =	vld [tilespmem:s19+$0xFFFFFD80]  }
0xda: {  	v13 =	vld [tilespmem:s19+$0xFFFFFE00]  }
0xdb: {  	v14 =	vld [tilespmem:s19+$0xFFFFFE80]  }
0xdc: {  	v15 =	vld [tilespmem:s19+$0xFFFFFF00]  }
0xdd: {  	v16 =	vld [tilespmem:s19+$0xFFFFFF80]  }
0xde: {  	v17 =	vmax.f32 v1, v2;
	v1 =	vmin.f32 v1, v2;
	v2 =	vmax.f32 v3, v4  }
0xdf: {  	v3 =	vmin.f32 v3, v4;
	v4 =	vmax.f32 v5, v6;
	v5 =	vmin.f32 v5, v6  }
0xe0: {  	v6 =	vmax.f32 v9, v10;
	v18 =	vmax.f32 v7, v8;
	v7 =	vmin.f32 v7, v8  }
0xe1: {  	v8 =	vmin.f32 v9, v10;
	v9 =	vmax.f32 v11, v12;
	v10 =	vmin.f32 v11, v12  }
0xe2: {  	v11 =	vmax.f32 v13, v14;
	v12 =	vmin.f32 v13, v14;
	v13 =	vmax.f32 v15, v16  }
0xe3: {  	v14 =	vmin.f32 v15, v16;
	v15 =	vmax.f32 v17, v2;
	v16 =	vmin.f32 v1, v3  }
0xe4: {  	v17 =	vmin.f32 v17, v2;
	v2 =	vmax.f32 v4, v18;
	v19 =	vmin.f32 v5, v7  }
0xe5: {  	v3 =	vmax.f32 v1, v3;
	v4 =	vmin.f32 v4, v18;
	v5 =	vmax.f32 v5, v7  }
0xe6: {  	v7 =	vmax.f32 v6, v9;
	v18 =	vmin.f32 v8, v10;
	v20 =	vmax.f32 v11, v13  }
0xe7: {  	v6 =	vmin.f32 v6, v9;
	v8 =	vmax.f32 v8, v10;
	v9 =	vmin.f32 v12, v14  }
0xe8: {  	v10 =	vmin.f32 v11, v13;
	v11 =	vmax.f32 v12, v14;
	v1 =	vmax.f32 v15, v2  }
0xe9: {  	v12 =	vmin.f32 v15, v2;
	v13 =	vmax.f32 v16, v19;
	v2 =	vmin.f32 v16, v19  }
0xea: {  	v14 =	vmax.f32 v3, v17;
	v3 =	vmin.f32 v3, v17;
	v15 =	vmax.f32 v5, v4  }
0xeb: {  	v16 =	vmax.f32 v7, v20;
	v17 =	vmin.f32 v18, v9;
	v4 =	vmin.f32 v5, v4  }
0xec: {  	v5 =	vmax.f32 v8, v6;
	v7 =	vmin.f32 v7, v20;
	v9 =	vmax.f32 v18, v9  }
0xed: {  	s20 =	sshll.u32 s18, $0x4;
	v6 =	vmin.f32 v8, v6;
	v8 =	vmax.f32 v11, v10;
	v10 =	vmin.f32 v11, v10  }
0xee: {  	v62 =	vld [tilespmem:s20+$0x10100];
	v19 =	vmax.f32 v14, v15;
	v14 =	vmin.f32 v14, v15;
	v15 =	vmin.f32 v3, v4  }
0xef: {  	v18 =	vld [tilespmem:s20+$0x10000];
	v21 =	vmax.f32 v5, v8;
	v22 =	vmin.f32 v6, v10;
	v3 =	vmax.f32 v3, v4  }
0xf0: {  	v11 =	vld [tilespmem:s20+$0x10080];
	v5 =	vmin.f32 v5, v8;
	v6 =	vmax.f32 v6, v10;
	v8 =	vmax.f32 v3, v12  }
0xf1: {  	v4 =	vld [tilespmem:s20+$0x10180];
	v12 =	vmin.f32 v3, v12;
	v23 =	vmax.f32 v13, v14;
	v13 =	vmin.f32 v13, v14  }
0xf2: {  	v10 =	vld [tilespmem:s20+$0x10200];
	v24 =	vmax.f32 v6, v7;
	v25 =	vmin.f32 v6, v7;
	v26 =	vmax.f32 v9, v5  }
0xf3: {  	v14 =	vld [tilespmem:s20+$0x10380];
	v28 =	vmin.f32 v9, v5;
	v3 =	vmax.f32 v19, v8;
	v5 =	vmin.f32 v19, v8  }
0xf4: {  	v27 =	vld [tilespmem:s20+$0x10280];
	v6 =	vmax.f32 v23, v12;
	v7 =	vmin.f32 v23, v12;
	v8 =	vmax.f32 v13, v15  }
0xf5: {  	v19 =	vld [tilespmem:s20+$0x10300];
	v12 =	vmax.f32 v21, v24;
	v21 =	vmin.f32 v21, v24;
	v9 =	vmin.f32 v13, v15  }
0xf6: {  	v13 =	vmax.f32 v26, v25;
	v63 =	vmax.f32 v28, v22;
	v22 =	vmin.f32 v28, v22  }
0xf7: {  	v15 =	vmin.f32 v26, v25;
	v17 =	vmax.f32 v18, v17;
	v11 =	vmax.f32 v11, v22  }
0xf8: {  	v15 =	vmax.f32 v4, v15;
	v4 =	vmax.f32 v10, v13;
	v18 =	vmax.f32 v14, v16  }
0xf9: {  	v14 =	vmax.f32 v62, v63;
	v16 =	vmax.f32 v27, v21;
	v10 =	vmin.f32 v17, v4  }
0xfa: {  	v19 =	vmax.f32 v19, v12;
	v12 =	vmax.f32 v17, v4;
	v13 =	vmax.f32 v11, v16  }
0xfb: {  	v4 =	vmin.f32 v11, v16;
	v17 =	vmax.f32 v15, v18;
	v16 =	vmax.f32 v14, v19  }
0xfc: {  	s21 =	simm.s32 $0x0;
	s22 =	sadd.s32 $0x800, s19;
	v15 =	vmin.f32 v15, v18;
	v14 =	vmin.f32 v14, v19;
	v11 =	vmax.f32 v12, v16  }
.LBB2_8:
0xfd: {  	v18 =	vld [tilespmem:s22+$0x0];
	v12 =	vmin.f32 v12, v16;
	v16 =	vmax.f32 v13, v17;
	v13 =	vmin.f32 v13, v17  }
0xfe: {  	v19 =	vmax.f32 v10, v14;
	v10 =	vmin.f32 v10, v14;
	v14 =	vmax.f32 v4, v15;
	v17 =	vld [tilespmem:s22+$0x80]  }
0xff: {  	v4 =	vmin.f32 v4, v15;
	v15 =	vmax.f32 v11, v16;
	v11 =	vmin.f32 v11, v16;
	v20 =	vld [tilespmem:s22+$0x100]  }
0x100: {  	v21 =	vmax.f32 v12, v13;
	v12 =	vmin.f32 v12, v13;
	v13 =	vmax.f32 v19, v14;
	v16 =	vld [tilespmem:s22+$0x180]  }
0x101: {  	v14 =	vmin.f32 v19, v14;
	v19 =	vmax.f32 v10, v4;
	v4 =	vmin.f32 v10, v4;
	v22 =	vld [tilespmem:s22+$0x200]  }
0x102: {  	v2 =	vmax.f32 v15, v2;
	v9 =	vmax.f32 v11, v9;
	v8 =	vmax.f32 v21, v8;
	v10 =	vld [tilespmem:s22+$0x280]  }
0x103: {  	v7 =	vmax.f32 v12, v7;
	v6 =	vmax.f32 v13, v6;
	v5 =	vmax.f32 v14, v5;
	v11 =	vld [tilespmem:s22+$0x300]  }
0x104: {  	v3 =	vmax.f32 v19, v3;
	v1 =	vmax.f32 v4, v1;
	v13 =	vmin.f32 v2, v6;
	v12 =	vld [tilespmem:s22+$0x380]  }
0x105: {  	v15 =	vmin.f32 v9, v5;
	v19 =	vmin.f32 v8, v3;
	v21 =	vmin.f32 v7, v1;
	v14 =	vld [tilespmem:s22+$0xFFFFFC00]  }
0x106: {  	v2 =	vmax.f32 v2, v6;
	v6 =	vmin.f32 v13, v19;
	v24 =	vmin.f32 v15, v21;
	v23 =	vld [tilespmem:s22+$0xFFFFFC80]  }
0x107: {  	v5 =	vmax.f32 v9, v5;
	v3 =	vmax.f32 v8, v3;
	v4 =	vmin.f32 v6, v24;
	v25 =	vld [tilespmem:s22+$0xFFFFFD00]  }
0x108: {  	v1 =	vmax.f32 v7, v1;
	v7 =	vmax.f32 v2, v3;
	v2 =	vmin.f32 v2, v3;
	v8 =	vld [tilespmem:s22+$0xFFFFFD80]  }
0x109: {  	v9 =	vmax.f32 v5, v1;
	v1 =	vmin.f32 v5, v1;
	v5 =	vmax.f32 v13, v19;
	v3 =	vld [tilespmem:s22+$0xFFFFFE00]  }
0x10a: {  	v15 =	vmax.f32 v15, v21;
	v19 =	vmax.f32 v7, v9;
	v21 =	vmin.f32 v7, v9;
	v13 =	vld [tilespmem:s22+$0xFFFFFE80]  }
0x10b: {  	v26 =	vmax.f32 v2, v1;
	v27 =	vmin.f32 v2, v1;
	v28 =	vmax.f32 v5, v15;
	v7 =	vld [tilespmem:s22+$0xFFFFFF00]  }
0x10c: {  	v15 =	vmin.f32 v5, v15;
	v24 =	vmax.f32 v6, v24;
	v1 =	vld [tilespmem:s22+$0xFFFFFF80]  }
0x10d: {  	v2 =	vmax.f32 v18, v17;
	v5 =	vmin.f32 v18, v17;
	v6 =	vmax.f32 v20, v16  }
0x10e: {  	v9 =	vmin.f32 v20, v16;
	v16 =	vmax.f32 v22, v10;
	v10 =	vmin.f32 v22, v10  }
0x10f: {  	v18 =	vmax.f32 v11, v12;
	v11 =	vmin.f32 v11, v12;
	v17 =	vmax.f32 v14, v23  }
0x110: {  	v12 =	vmin.f32 v14, v23;
	v14 =	vmax.f32 v25, v8;
	v8 =	vmin.f32 v25, v8  }
0x111: {  	v20 =	vmax.f32 v3, v13;
	v3 =	vmin.f32 v3, v13;
	v13 =	vmax.f32 v7, v1  }
0x112: {  	v22 =	vmin.f32 v5, v9;
	v1 =	vmin.f32 v7, v1;
	v7 =	vmax.f32 v2, v6  }
0x113: {  	v23 =	vmin.f32 v10, v11;
	v6 =	vmin.f32 v2, v6;
	v2 =	vmax.f32 v16, v18  }
0x114: {  	v5 =	vmax.f32 v5, v9;
	v9 =	vmin.f32 v16, v18;
	v10 =	vmax.f32 v10, v11  }
0x115: {  	v11 =	vmax.f32 v17, v14;
	v16 =	vmin.f32 v12, v8;
	v18 =	vmax.f32 v20, v13  }
0x116: {  	v14 =	vmin.f32 v17, v14;
	v8 =	vmax.f32 v12, v8;
	v12 =	vmin.f32 v3, v1  }
0x117: {  	v13 =	vmin.f32 v20, v13;
	v3 =	vmax.f32 v3, v1;
	v1 =	vmax.f32 v7, v2  }
0x118: {  	v17 =	vmax.f32 v22, v23;
	v7 =	vmin.f32 v7, v2;
	v2 =	vmin.f32 v22, v23  }
0x119: {  	v20 =	vmax.f32 v5, v6;
	v5 =	vmin.f32 v5, v6;
	v6 =	vmax.f32 v10, v9  }
0x11a: {  	v9 =	vmin.f32 v10, v9;
	v22 =	vmax.f32 v11, v18;
	v23 =	vmin.f32 v16, v12  }
0x11b: {  	v10 =	vmax.f32 v8, v14;
	v11 =	vmin.f32 v11, v18;
	v12 =	vmax.f32 v16, v12  }
0x11c: {  	v8 =	vmin.f32 v8, v14;
	v14 =	vmax.f32 v3, v13;
	v3 =	vmin.f32 v3, v13  }
0x11d: {  	v13 =	vmax.f32 v20, v6;
	v6 =	vmin.f32 v20, v6;
	v16 =	vmin.f32 v5, v9  }
0x11e: {  	v5 =	vmax.f32 v5, v9;
	v18 =	vmax.f32 v10, v14;
	v20 =	vmin.f32 v8, v3  }
0x11f: {  	v9 =	vmin.f32 v10, v14;
	v3 =	vmax.f32 v8, v3;
	v8 =	vmax.f32 v5, v7  }
0x120: {  	v7 =	vmin.f32 v5, v7;
	v10 =	vmax.f32 v17, v6;
	v14 =	vmin.f32 v17, v6  }
0x121: {  	v17 =	vmax.f32 v3, v11;
	v11 =	vmin.f32 v3, v11;
	v25 =	vmax.f32 v12, v9  }
0x122: {  	v12 =	vmin.f32 v12, v9;
	v3 =	vmax.f32 v13, v8;
	v5 =	vmin.f32 v13, v8  }
0x123: {  	v6 =	vmax.f32 v10, v7;
	v7 =	vmin.f32 v10, v7;
	v8 =	vmax.f32 v14, v16  }
0x124: {  	s21 =	sadd.s32 $0x2, s21;
	v9 =	vmin.f32 v14, v16;
	v10 =	vmax.f32 v18, v17;
	v13 =	vmin.f32 v18, v17  }
0x125: {  	p0 =	slt.u32 s21, $0x1E;
	v14 =	vmax.f32 v25, v11;
	v11 =	vmin.f32 v25, v11;
	v16 =	vmax.f32 v12, v20  }
0x126: {  	v12 =	vmin.f32 v12, v20;
	v17 =	vmax.f32 v19, v23;
	v18 =	vmax.f32 v4, v22  }
.Ltmp2:
0x127: {  	v4 =	vmax.f32 v21, v12;
	v19 =	vmax.f32 v26, v16;
	v11 =	vmax.f32 v27, v11;
	(pc) =	sbr.rel @p0 .LBB2_8-.Ltmp2, $4  }
0x128: {  	v14 =	vmax.f32 v28, v14;
	v15 =	vmax.f32 v15, v13;
	v20 =	vmax.f32 v24, v10  }
0x129: {  	v12 =	vmax.f32 v17, v14;
	v10 =	vmin.f32 v17, v14;
	v13 =	vmax.f32 v4, v15  }
0x12a: {  	v4 =	vmin.f32 v4, v15;
	v16 =	vmax.f32 v19, v20;
	v14 =	vmin.f32 v19, v20  }
0x12b: {  	s22 =	sadd.s32 $0x800, s22;
	v17 =	vmax.f32 v11, v18;
	v15 =	vmin.f32 v11, v18;
	v11 =	vmax.f32 v12, v16  }
0x12c: {  	v12 =	vmin.f32 v12, v16;
	v40 =	vmax.f32 v13, v17;
	v41 =	vmin.f32 v13, v17  }
0x12d: {  	v42 =	vmax.f32 v10, v14;
	v43 =	vmin.f32 v10, v14;
	v44 =	vmax.f32 v4, v15  }
0x12e: {  	v45 =	vmin.f32 v4, v15;
	v46 =	vmax.f32 v11, v40;
	v47 =	vmin.f32 v11, v40  }
0x12f: {  	v48 =	vmax.f32 v12, v41;
	v12 =	vmin.f32 v12, v41;
	v49 =	vmax.f32 v42, v44  }
0x130: {  	v14 =	vmin.f32 v42, v44;
	v50 =	vmax.f32 v43, v45;
	v4 =	vmin.f32 v43, v45  }
0x131: {  	v2 =	vmax.f32 v46, v2;
	v9 =	vmax.f32 v47, v9;
	v8 =	vmax.f32 v48, v8  }
0x132: {  	v7 =	vmax.f32 v12, v7;
	v6 =	vmax.f32 v49, v6;
	v5 =	vmax.f32 v14, v5  }
0x133: {  	v3 =	vmax.f32 v50, v3;
	v1 =	vmax.f32 v4, v1;
	v51 =	vmax.f32 v2, v6  }
0x134: {  	v52 =	vmax.f32 v9, v5;
	v53 =	vmax.f32 v8, v3;
	v12 =	vmax.f32 v7, v1  }
0x135: {  	v54 =	vmax.f32 v51, v53;
	v55 =	vmax.f32 v52, v12  }
0x136: {  	v2 =	vmin.f32 v2, v6;
	v5 =	vmin.f32 v9, v5;
	v56 =	vmax.f32 v54, v55  }
0x137: {  	v4 =	vmin.f32 v51, v53;
	v57 =	vmin.f32 v52, v12;
	v58 =	vmin.f32 v54, v55;
	[tilespmem:s20+$0x10000] =	vst v56  }
0x138: {  	s18 =	sadd.s32 $0x1, s18;
	v3 =	vmin.f32 v8, v3;
	v1 =	vmin.f32 v7, v1;
	v59 =	vmax.f32 v4, v57;
	[tilespmem:s20+$0x10080] =	vst v58  }
0x139: {  	p0 =	sne.s32 s18, $0x8;
	v60 =	vmax.f32 v2, v3;
	v61 =	vmax.f32 v5, v1;
	v4 =	vmin.f32 v4, v57;
	[tilespmem:s20+$0x10100] =	vst v59  }
.Ltmp3:
0x13a: {  	v62 =	vmax.f32 v60, v61;
	[tilespmem:s20+$0x10180] =	vst v4;
	(pc) =	sbr.rel @p0 .LBB2_7-.Ltmp3, $4  }
0x13b: {  	v2 =	vmin.f32 v2, v3;
	v1 =	vmin.f32 v5, v1;
	v3 =	vmin.f32 v60, v61;
	[tilespmem:s20+$0x10200] =	vst v62  }
0x13c: {  	v63 =	vmax.f32 v2, v1;
	[tilespmem:s20+$0x10280] =	vst v3  }
0x13d: {  	v1 =	vmin.f32 v2, v1;
	[tilespmem:s20+$0x10300] =	vst v63  }
0x13e: {  	s19 =	sadd.s32 $0x10, s19;
	[tilespmem:s20+$0x10380] =	vst v1  }
0x13f: {  	s17 =	sadd.s32 $0x1, s17  }
0x140: {  	p0 =	sne.s32 s17, $0x10  }
.Ltmp4:
0x141: {  	_ = 	snop;
	(pc) =	sbr.rel @p0 .LBB2_2-.Ltmp4, $1  }
0x142: {  	_ =	sdelay $0x3  }
0x143: {  	s16 =	sadd.s32 $0x1, s16  }
0x144: {  	p0 =	sne.s32 s16, s8  }
.Ltmp5:
0x145: {  	_ = 	snop;
	(pc) =	sbr.rel @p0 .LBB2_1-.Ltmp5, $4  }
0x146: {  	[hbm4b:s7+s2] =	stream.linear.scatter [tilespmem:s14], [sflag:$0x3], $0x400, $0x38;
	[tilespmem:$0x10400] =	vst v63  }
0x147: {  	_ =	swait.ge [sflag:s15], $0x400  }
0x148: {  	[sflag:s15] =	ssyncset.done $0x0  }
0x149: {  	[sflag:s15] =	ssyncadd.s32 $0xFFFFFC00  }
0x14a: {  	_ =	sfence.sel $0x180000  }
0x14b: {  	[bflag:$0x0] =	sbarrier.arrive $0xFFFF  }
0x14c: {  	p0 =	sne.s32 s1, $0x0;
	_ =	strace $0x90000047  }
0x14d: {  	s0 =	sadd.s32 @!p0 $0x100000, s0;
	[bflag:$0x2] =	sbarrier.arrive $0xFFFF  }
0x14e: {  	[sflag:s0] =	ssyncadd.tile.s32 @!p0 $0x1;
	_ =	shalt  }
.Lfunc_end2:
_tile_overlayer_lowered:
.L_overlay_start_2:
0x14f: {  	(tag) =	ssettag $0x2  }
0x150: {  	s0 =	rddreg [dreg:$0x0];
	s2 =	stileid.u32  }
0x151: {  	s1 =	rddreg [dreg:$0x1];
	p0 =	sne.s32 s2, $0x0  }
0x152: {  	s3 =	rddreg [dreg:$0x2];
	[bflag:$0x3] =	sbarrier.arrive $0xFFFF;
	s2 =	simm.s32 @!p0 $0x1C03  }
0x153: {  	[timem:s3], [sflag:s2] =	dma.local @!p0 [hbm:s0], s1  }
0x154: {  	s0 =	simm.s32 @!p0 $0x3  }
0x155: {  	_ =	swait.ge @!p0 [sflag:s0], s1  }
0x156: {  	s1 =	ssub.s32 @!p0 $0x0, s1;
	[sflag:s0] =	ssyncset.done @!p0 $0x0  }
0x157: {  	[sflag:s0] =	ssyncadd.s32 @!p0 s1  }
0x158: {  	[bflag:$0x3] =	sbarrier.arrive $0xFFFF  }
0x159: {  	_ =	shalt  }

</sc_bundles>
